<compile_context>
chip_gen: v7x
topology: tpu7x:2x2x1
jax: 0.10.2.dev20260603
libtpu: 0.0.44.dev20260713+nightly
codegen_flags: <defaults>
</compile_context>

<pallas_src>
import functools

import jax
import jax.numpy as jnp
from jax import lax
from jax.experimental import pallas as pl
from jax.experimental.pallas import tpu as pltpu
from jax.experimental.pallas import tpu_sc as plsc

_LANES = 16
_NSUB = 16
_OUT_ROWS = 6


def _sc_gather_body(B, N, D, p_hbm, s_hbm, k_hbm, emb_hbm, rows_out,
                    p_v, s_v, k_v, idx_v, buf_v, rows_v, psem, ssem, sem):
    wid = lax.axis_index("s") * 2 + lax.axis_index("c")

    @pl.when(wid < B)
    def _():
        b = wid
        cp_p = pltpu.async_copy(
            p_hbm.at[pl.ds(pl.multiple_of(b * N, _LANES), N)], p_v, psem)
        cp_s = pltpu.async_copy(s_hbm, s_v.at[pl.ds(0, B)], ssem)
        cp_k = pltpu.async_copy(k_hbm, k_v.at[pl.ds(0, B)], ssem)
        lane = lax.iota(jnp.int32, _LANES)
        cp_s.wait()
        cp_k.wait()

        def rot(v, sh):
            buf_v[pl.ds(0, _LANES)] = v
            buf_v[pl.ds(_LANES, _LANES)] = v
            return buf_v[pl.ds(sh, _LANES)]

        def splat_b(x_v):
            v = rot(x_v[pl.ds(0, _LANES)], b)
            for sh in (8, 4, 2, 1):
                v = jnp.where((lane & sh) != 0, rot(v, _LANES - sh), v)
            return v

        s_spl = splat_b(s_v)
        k_spl = splat_b(k_v)
        cp_p.wait()

        nchunks = N // _LANES

        def lanemax_splat(v):
            for sh in (8, 4, 2, 1):
                buf_v[pl.ds(0, _LANES)] = v
                buf_v[pl.ds(_LANES, _LANES)] = v
                v = jnp.maximum(v, buf_v[pl.ds(sh, _LANES)])
            return v

        def last_match(q_spl):
            def step(c, best):
                v = p_v[pl.ds(c * _LANES, _LANES)]
                ii = lane + c * _LANES
                return jnp.maximum(best, jnp.where(v == q_spl, ii, -1))
            best = lax.fori_loop(0, nchunks, step,
                                 jnp.zeros((_LANES,), jnp.int32) - 1,
                                 unroll=8)
            return lanemax_splat(best)

        w1_spl = last_match(s_spl)
        w2_spl = last_match(w1_spl)

        idx = jnp.where(lane == 1, k_spl, s_spl)
        idx = jnp.where(lane == 2, jnp.maximum(w1_spl, 0), idx)
        idx = jnp.where(lane >= 3, jnp.maximum(w2_spl, 0), idx)
        idx_v[...] = idx
        pltpu.async_copy(emb_hbm.at[idx_v], rows_v, sem).wait()

        m1 = jnp.where(w1_spl >= 0, 1.0, 0.0)
        m2 = jnp.where(w2_spl >= 0, 1.0, 0.0)
        for c in range(D // _LANES):
            rows_v[4, pl.ds(c * _LANES, _LANES)] = m1
            rows_v[5, pl.ds(c * _LANES, _LANES)] = m2
        pltpu.sync_copy(rows_v.at[pl.ds(0, _OUT_ROWS)], rows_out.at[:, b])


def _sc_gather(p, s, k, emb):
    B, N = p.shape
    D = emb.shape[1]
    mesh = plsc.VectorSubcoreMesh(core_axis_name="c", subcore_axis_name="s",
                                  num_cores=2, num_subcores=_NSUB)
    return pl.kernel(
        functools.partial(_sc_gather_body, B, N, D),
        out_type=jax.ShapeDtypeStruct((_OUT_ROWS, B, D), jnp.float32),
        mesh=mesh,
        scratch_types=[
            pltpu.VMEM((N,), jnp.int32),
            pltpu.VMEM((_LANES,), jnp.int32),
            pltpu.VMEM((_LANES,), jnp.int32),
            pltpu.VMEM((_LANES,), jnp.int32),
            pltpu.VMEM((2 * _LANES,), jnp.int32),
            pltpu.VMEM((_LANES, D), jnp.float32),
            pltpu.SemaphoreType.DMA,
            pltpu.SemaphoreType.DMA,
            pltpu.SemaphoreType.DMA,
        ],
    )(p.reshape(-1), s, k, emb)


def _gelu(x):
    return 0.5 * x * (1.0 + lax.erf(x * 0.7071067811865476))


def _tc_dense_body(rowsT_ref, W1_ref, b1_ref, W2_ref, b2_ref, Wih_ref, Whh_ref,
                   bih_ref, bhh_ref, Wc_ref, bc_ref, Whp_ref, bhp_ref, out_ref):
    D = W1_ref.shape[1]

    def dot(a, w):
        return lax.dot_general(a, w, (((1,), (1,)), ((), ())),
                               preferred_element_type=jnp.float32)

    E_s = rowsT_ref[0]
    E_k = rowsT_ref[1]
    E_w1 = rowsT_ref[2]
    E_w2 = rowsT_ref[3]
    m1 = rowsT_ref[4]
    m2 = rowsT_ref[5]

    def mlp(x):
        h1 = _gelu(dot(x, W1_ref[...]) + b1_ref[...])
        return dot(h1, W2_ref[...]) + b2_ref[...]

    def gru(x, h):
        gi = dot(x, Wih_ref[...]) + bih_ref[...]
        gh = dot(h, Whh_ref[...]) + bhh_ref[...]
        r = jax.nn.sigmoid(gi[:, 0:D] + gh[:, 0:D])
        z = jax.nn.sigmoid(gi[:, D:2 * D] + gh[:, D:2 * D])
        n = jnp.tanh(gi[:, 2 * D:3 * D] + r * gh[:, 2 * D:3 * D])
        return (1.0 - z) * n + z * h

    H1_s = gru(m1 * mlp(E_w1), E_s)
    H1_w1 = gru(m2 * mlp(E_w2), E_w1)
    H2_s = gru(m1 * mlp(H1_w1), H1_s)

    fr = jnp.concatenate([H2_s, E_k], axis=1)
    combined = _gelu(dot(fr, Wc_ref[...]) + bc_ref[...])
    out_ref[...] = dot(combined, Whp_ref[...]) + bhp_ref[...]


def kernel(p, s, k, emb, W1, b1, W2, b2, W_ih, W_hh, b_ih, b_hh, Wc, bc, Wh, bh):
    B, N = p.shape
    D = emb.shape[1]

    rowsT = _sc_gather(p.astype(jnp.int32), s.astype(jnp.int32),
                       k.astype(jnp.int32), emb)

    logits = pl.pallas_call(
        _tc_dense_body,
        out_shape=jax.ShapeDtypeStruct((B, N), jnp.float32),
    )(rowsT, W1, b1.reshape(1, -1), W2, b2.reshape(1, -1),
      W_ih, W_hh, b_ih.reshape(1, -1), b_hh.reshape(1, -1),
      Wc, bc.reshape(1, -1), Wh, bh.reshape(1, -1))
    return logits

# --- scband reference (transcript-rebuilt; emitter-appended) ---
"""Pipeline reference for scband-pointer-gnn-39195871543578 (READ-ONLY COPY).

The authoritative reference and input builder live on the scoring server;
editing this copy changes nothing except your own understanding.
"""

import jax, jax.numpy as jnp
import numpy as np

N = 10000
D = 128
HID = 256
L = 2
B = 8


def gelu(x):
    return jax.nn.gelu(x, approximate=False)


def setup_inputs(seed: int = 0) -> dict:
    key = jax.random.key(seed)
    ks = jax.random.split(key, 20)
    s = 0.02
    inp = {}
    inp['p'] = jax.random.randint(ks[0], (B, N), 0, N, dtype=jnp.int32)
    inp['s'] = jax.random.randint(ks[1], (B,), 0, N, dtype=jnp.int32)
    inp['k'] = jax.random.randint(ks[2], (B,), 0, N, dtype=jnp.int32)
    inp['emb'] = jax.random.normal(ks[3], (N, D), dtype=jnp.float32) * s
    inp['W1'] = jax.random.normal(ks[4], (HID, D), dtype=jnp.float32) * s
    inp['b1'] = jax.random.normal(ks[5], (HID,), dtype=jnp.float32) * s
    inp['W2'] = jax.random.normal(ks[6], (D, HID), dtype=jnp.float32) * s
    inp['b2'] = jax.random.normal(ks[7], (D,), dtype=jnp.float32) * s
    inp['W_ih'] = jax.random.normal(ks[8], (3 * D, D), dtype=jnp.float32) * s
    inp['W_hh'] = jax.random.normal(ks[9], (3 * D, D), dtype=jnp.float32) * s
    inp['b_ih'] = jax.random.normal(ks[10], (3 * D,), dtype=jnp.float32) * s
    inp['b_hh'] = jax.random.normal(ks[11], (3 * D,), dtype=jnp.float32) * s
    inp['Wc'] = jax.random.normal(ks[12], (D, 2 * D), dtype=jnp.float32) * s
    inp['bc'] = jax.random.normal(ks[13], (D,), dtype=jnp.float32) * s
    inp['Wh'] = jax.random.normal(ks[14], (N, D), dtype=jnp.float32) * s
    inp['bh'] = jax.random.normal(ks[15], (N,), dtype=jnp.float32) * s
    return inp


def reference(p, s, k, emb, W1, b1, W2, b2, W_ih, W_hh, b_ih, b_hh, Wc, bc, Wh, bh):
    Bb, Nn = p.shape
    Dd = emb.shape[1]
    # encoder: q_k = emb_idx(k); (mem, q_s unused downstream)
    q_k = jnp.take(emb, k, axis=0)
    # H init: emb_idx(arange(N)) broadcast over batch
    H = jnp.broadcast_to(emb[None, :, :], (Bb, Nn, Dd))
    bidx = jnp.arange(Bb)[:, None]
    for _ in range(L):
        h1 = gelu(H @ W1.T + b1)
        msgs = h1 @ W2.T + b2
        # scatter-overwrite along node dim: agg[b, p[b,i], :] = msgs[b, i, :]
        agg = jnp.zeros_like(msgs).at[bidx, p].set(msgs)
        x = agg.reshape(-1, Dd)
        h = H.reshape(-1, Dd)
        gi = x @ W_ih.T + b_ih
        gh = h @ W_hh.T + b_hh
        i_r, i_z, i_n = jnp.split(gi, 3, axis=-1)
        h_r, h_z, h_n = jnp.split(gh, 3, axis=-1)
        r = jax.nn.sigmoid(i_r + h_r)
        z = jax.nn.sigmoid(i_z + h_z)
        n = jnp.tanh(i_n + r * h_n)
        Hn = (1.0 - z) * n + z * h
        H = Hn.reshape(Bb, Nn, Dd)
    s_state = H[jnp.arange(Bb), s]
    final_rep = jnp.concatenate([s_state, q_k], axis=-1)
    combined = gelu(final_rep @ Wc.T + bc)
    logits = combined @ Wh.T + bh
    return logits

if __name__ == "__main__":
    import jax
    _d = setup_inputs()
    print(jax.jit(kernel)(*tuple(_d.values())))

</pallas_src>

<mosaic_0001>
#map = affine_map<(d0, d1) -> (0)>
#map1 = affine_map<(d0, d1) -> (0, 0)>
#map2 = affine_map<(d0, d1) -> (0, 0, 0)>
module attributes {stable_mosaic.version = 14 : i64} {
  func.func @_sc_gather_body(%arg0: i32, %arg1: i32, %arg2: memref<80000xi32, #tpu.memory_space<hbm>>, %arg3: memref<8xi32, #tpu.memory_space<hbm>>, %arg4: memref<8xi32, #tpu.memory_space<hbm>>, %arg5: memref<10000x128xf32, #tpu.memory_space<hbm>>, %arg6: memref<6x8x128xf32, #tpu.memory_space<hbm>>, %arg7: memref<10000xi32, #tpu.memory_space<vmem>>, %arg8: memref<16xi32, #tpu.memory_space<vmem>>, %arg9: memref<16xi32, #tpu.memory_space<vmem>>, %arg10: memref<16xi32, #tpu.memory_space<vmem>>, %arg11: memref<32xi32, #tpu.memory_space<vmem>>, %arg12: memref<16x128xf32, #tpu.memory_space<vmem>>, %arg13: memref<!tpu.dma_semaphore, #tpu.memory_space<semaphore_mem>>, %arg14: memref<!tpu.dma_semaphore, #tpu.memory_space<semaphore_mem>>, %arg15: memref<!tpu.dma_semaphore, #tpu.memory_space<semaphore_mem>>) attributes {dimension_semantics = [#tpu.dimension_semantics<core_parallel>, #tpu.dimension_semantics<subcore_parallel>], iteration_bounds = array<i64: 2, 16>, scalar_prefetch = 0 : i64, scratch_operands = 9 : i64, tpu.core_type = #tpu.core_type<sc_vector_subcore>, window_params = [{transform_indices = #map}, {transform_indices = #map}, {transform_indices = #map}, {transform_indices = #map1}, {transform_indices = #map2}]} {
    %mul3A = arith.constant 2 : i32
    %mul3A_0 = arith.muli %arg1, %mul3A : i32
    %add3A = arith.addi %mul3A_0, %arg0 : i32
    %lt3A = arith.constant 8 : i32
    %lt3A_1 = arith.cmpi slt, %add3A, %lt3A : i32
    %convert_element_type3A = arith.extui %lt3A_1 : i1 to i32
    %cond3A = arith.constant 0 : i32
    %cond3A_2 = arith.cmpi ne, %convert_element_type3A, %cond3A : i32
    scf.if %cond3A_2 {
      %mul3A_3 = arith.constant 10000 : i32
      %mul3A_4 = arith.muli %add3A, %mul3A_3 : i32
      %multiple_of3A = tpu.assume_multiple %mul3A_4, 16 : i32
      %dma_start3A = tpu.memref_slice %arg2[%multiple_of3A] : memref<80000xi32, #tpu.memory_space<hbm>> -> memref<10000xi32, #tpu.memory_space<hbm>>
      %dma_start3A_5 = tpu.memref_slice %arg2[%multiple_of3A] : memref<80000xi32, #tpu.memory_space<hbm>> -> memref<10000xi32, #tpu.memory_space<hbm>>
      tpu.enqueue_dma source(%dma_start3A_5 : memref<10000xi32, #tpu.memory_space<hbm>>) target(%arg7 : memref<10000xi32, #tpu.memory_space<vmem>>) target_semaphore(%arg13 : memref<!tpu.dma_semaphore, #tpu.memory_space<semaphore_mem>>)
      %dma_start3A_6 = arith.constant 0 : i32
      %dma_start3A_7 = tpu.memref_slice %arg8[%dma_start3A_6] : memref<16xi32, #tpu.memory_space<vmem>> -> memref<8xi32, #tpu.memory_space<vmem>>
      %dma_start3A_8 = arith.constant 0 : i32
      %dma_start3A_9 = tpu.memref_slice %arg8[%dma_start3A_8] : memref<16xi32, #tpu.memory_space<vmem>> -> memref<8xi32, #tpu.memory_space<vmem>>
      tpu.enqueue_dma source(%arg3 : memref<8xi32, #tpu.memory_space<hbm>>) target(%dma_start3A_9 : memref<8xi32, #tpu.memory_space<vmem>>) target_semaphore(%arg14 : memref<!tpu.dma_semaphore, #tpu.memory_space<semaphore_mem>>)
      %dma_start3A_10 = arith.constant 0 : i32
      %dma_start3A_11 = tpu.memref_slice %arg9[%dma_start3A_10] : memref<16xi32, #tpu.memory_space<vmem>> -> memref<8xi32, #tpu.memory_space<vmem>>
      %dma_start3A_12 = arith.constant 0 : i32
      %dma_start3A_13 = tpu.memref_slice %arg9[%dma_start3A_12] : memref<16xi32, #tpu.memory_space<vmem>> -> memref<8xi32, #tpu.memory_space<vmem>>
      tpu.enqueue_dma source(%arg4 : memref<8xi32, #tpu.memory_space<hbm>>) target(%dma_start3A_13 : memref<8xi32, #tpu.memory_space<vmem>>) target_semaphore(%arg14 : memref<!tpu.dma_semaphore, #tpu.memory_space<semaphore_mem>>)
      %iota3A = tpu.iota {dimensions = array<i32: 0>} : vector<16xi32>
      %dma_wait3A = arith.constant 0 : i32
      %dma_wait3A_14 = tpu.memref_slice %arg8[%dma_wait3A] : memref<16xi32, #tpu.memory_space<vmem>> -> memref<8xi32, #tpu.memory_space<vmem>>
      %dma_wait3A_15 = arith.constant 0 : i32
      %dma_wait3A_16 = tpu.memref_slice %arg8[%dma_wait3A_15] : memref<16xi32, #tpu.memory_space<vmem>> -> memref<8xi32, #tpu.memory_space<vmem>>
      tpu.wait_dma2 semaphore(%arg14 : memref<!tpu.dma_semaphore, #tpu.memory_space<semaphore_mem>>) src(%arg3 : memref<8xi32, #tpu.memory_space<hbm>>) dst(%dma_wait3A_16 : memref<8xi32, #tpu.memory_space<vmem>>)
      %dma_wait3A_17 = arith.constant 0 : i32
      %dma_wait3A_18 = tpu.memref_slice %arg9[%dma_wait3A_17] : memref<16xi32, #tpu.memory_space<vmem>> -> memref<8xi32, #tpu.memory_space<vmem>>
      %dma_wait3A_19 = arith.constant 0 : i32
      %dma_wait3A_20 = tpu.memref_slice %arg9[%dma_wait3A_19] : memref<16xi32, #tpu.memory_space<vmem>> -> memref<8xi32, #tpu.memory_space<vmem>>
      tpu.wait_dma2 semaphore(%arg14 : memref<!tpu.dma_semaphore, #tpu.memory_space<semaphore_mem>>) src(%arg4 : memref<8xi32, #tpu.memory_space<hbm>>) dst(%dma_wait3A_20 : memref<8xi32, #tpu.memory_space<vmem>>)
      %get3A = arith.constant 0 : index
      %get3A_21 = tpu.vector_load %arg8[%get3A] {strides = array<i32>} : memref<16xi32, #tpu.memory_space<vmem>>, vector<16xi32>,
      %get3A_22 = vector.shape_cast %get3A_21 : vector<16xi32> to vector<16xi32>
      %swap3A = arith.constant 0 : index
      %swap3A_23 = tpu.vector_load %arg11[%swap3A] {strides = array<i32>} : memref<32xi32, #tpu.memory_space<vmem>>, vector<16xi32>,
      %swap3A_24 = vector.shape_cast %swap3A_23 : vector<16xi32> to vector<16xi32>
      %swap3A_25 = vector.shape_cast %get3A_22 : vector<16xi32> to vector<16xi32>
      tpu.vector_store %arg11[%swap3A], %swap3A_25 {strides = array<i32>} : memref<32xi32, #tpu.memory_space<vmem>>, vector<16xi32>,
      %swap3A_26 = arith.constant 16 : index
      %swap3A_27 = tpu.vector_load %arg11[%swap3A_26] {strides = array<i32>} : memref<32xi32, #tpu.memory_space<vmem>>, vector<16xi32>,
      %swap3A_28 = vector.shape_cast %swap3A_27 : vector<16xi32> to vector<16xi32>
      %swap3A_29 = vector.shape_cast %get3A_22 : vector<16xi32> to vector<16xi32>
      tpu.vector_store %arg11[%swap3A_26], %swap3A_29 {strides = array<i32>} : memref<32xi32, #tpu.memory_space<vmem>>, vector<16xi32>,
      %get3A_30 = arith.index_cast %add3A : i32 to index
      %get3A_31 = tpu.vector_load %arg11[%get3A_30] {strides = array<i32>} : memref<32xi32, #tpu.memory_space<vmem>>, vector<16xi32>,
      %get3A_32 = vector.shape_cast %get3A_31 : vector<16xi32> to vector<16xi32>
      %and3A = arith.constant 8 : i32
      %and3A_33 = vector.broadcast %and3A : i32 to vector<16xi32>
      %and3A_34 = arith.andi %iota3A, %and3A_33 : vector<16xi32>
      %ne3A = arith.constant 0 : i32
      %ne3A_35 = vector.broadcast %ne3A : i32 to vector<16xi32>
      %ne3A_36 = arith.cmpi ne, %and3A_34, %ne3A_35 : vector<16xi32>
      %swap3A_37 = arith.constant 0 : index
      %swap3A_38 = tpu.vector_load %arg11[%swap3A_37] {strides = array<i32>} : memref<32xi32, #tpu.memory_space<vmem>>, vector<16xi32>,
      %swap3A_39 = vector.shape_cast %swap3A_38 : vector<16xi32> to vector<16xi32>
      %swap3A_40 = vector.shape_cast %get3A_32 : vector<16xi32> to vector<16xi32>
      tpu.vector_store %arg11[%swap3A_37], %swap3A_40 {strides = array<i32>} : memref<32xi32, #tpu.memory_space<vmem>>, vector<16xi32>,
      %swap3A_41 = arith.constant 16 : index
      %swap3A_42 = tpu.vector_load %arg11[%swap3A_41] {strides = array<i32>} : memref<32xi32, #tpu.memory_space<vmem>>, vector<16xi32>,
      %swap3A_43 = vector.shape_cast %swap3A_42 : vector<16xi32> to vector<16xi32>
      %swap3A_44 = vector.shape_cast %get3A_32 : vector<16xi32> to vector<16xi32>
      tpu.vector_store %arg11[%swap3A_41], %swap3A_44 {strides = array<i32>} : memref<32xi32, #tpu.memory_space<vmem>>, vector<16xi32>,
      %get3A_45 = arith.constant 8 : index
      %get3A_46 = tpu.vector_load %arg11[%get3A_45] {strides = array<i32>} : memref<32xi32, #tpu.memory_space<vmem>>, vector<16xi32>,
      %get3A_47 = vector.shape_cast %get3A_46 : vector<16xi32> to vector<16xi32>
      %select_n3A = arith.select %ne3A_36, %get3A_47, %get3A_32 : vector<16xi1>, vector<16xi32>
      %and3A_48 = arith.constant 4 : i32
      %and3A_49 = vector.broadcast %and3A_48 : i32 to vector<16xi32>
      %and3A_50 = arith.andi %iota3A, %and3A_49 : vector<16xi32>
      %ne3A_51 = arith.constant 0 : i32
      %ne3A_52 = vector.broadcast %ne3A_51 : i32 to vector<16xi32>
      %ne3A_53 = arith.cmpi ne, %and3A_50, %ne3A_52 : vector<16xi32>
      %swap3A_54 = arith.constant 0 : index
      %swap3A_55 = tpu.vector_load %arg11[%swap3A_54] {strides = array<i32>} : memref<32xi32, #tpu.memory_space<vmem>>, vector<16xi32>,
      %swap3A_56 = vector.shape_cast %swap3A_55 : vector<16xi32> to vector<16xi32>
      %swap3A_57 = vector.shape_cast %select_n3A : vector<16xi32> to vector<16xi32>
      tpu.vector_store %arg11[%swap3A_54], %swap3A_57 {strides = array<i32>} : memref<32xi32, #tpu.memory_space<vmem>>, vector<16xi32>,
      %swap3A_58 = arith.constant 16 : index
      %swap3A_59 = tpu.vector_load %arg11[%swap3A_58] {strides = array<i32>} : memref<32xi32, #tpu.memory_space<vmem>>, vector<16xi32>,
      %swap3A_60 = vector.shape_cast %swap3A_59 : vector<16xi32> to vector<16xi32>
      %swap3A_61 = vector.shape_cast %select_n3A : vector<16xi32> to vector<16xi32>
      tpu.vector_store %arg11[%swap3A_58], %swap3A_61 {strides = array<i32>} : memref<32xi32, #tpu.memory_space<vmem>>, vector<16xi32>,
      %get3A_62 = arith.constant 12 : index
      %get3A_63 = tpu.vector_load %arg11[%get3A_62] {strides = array<i32>} : memref<32xi32, #tpu.memory_space<vmem>>, vector<16xi32>,
      %get3A_64 = vector.shape_cast %get3A_63 : vector<16xi32> to vector<16xi32>
      %select_n3A_65 = arith.select %ne3A_53, %get3A_64, %select_n3A : vector<16xi1>, vector<16xi32>
      %and3A_66 = arith.constant 2 : i32
      %and3A_67 = vector.broadcast %and3A_66 : i32 to vector<16xi32>
      %and3A_68 = arith.andi %iota3A, %and3A_67 : vector<16xi32>
      %ne3A_69 = arith.constant 0 : i32
      %ne3A_70 = vector.broadcast %ne3A_69 : i32 to vector<16xi32>
      %ne3A_71 = arith.cmpi ne, %and3A_68, %ne3A_70 : vector<16xi32>
      %swap3A_72 = arith.constant 0 : index
      %swap3A_73 = tpu.vector_load %arg11[%swap3A_72] {strides = array<i32>} : memref<32xi32, #tpu.memory_space<vmem>>, vector<16xi32>,
      %swap3A_74 = vector.shape_cast %swap3A_73 : vector<16xi32> to vector<16xi32>
      %swap3A_75 = vector.shape_cast %select_n3A_65 : vector<16xi32> to vector<16xi32>
      tpu.vector_store %arg11[%swap3A_72], %swap3A_75 {strides = array<i32>} : memref<32xi32, #tpu.memory_space<vmem>>, vector<16xi32>,
      %swap3A_76 = arith.constant 16 : index
      %swap3A_77 = tpu.vector_load %arg11[%swap3A_76] {strides = array<i32>} : memref<32xi32, #tpu.memory_space<vmem>>, vector<16xi32>,
      %swap3A_78 = vector.shape_cast %swap3A_77 : vector<16xi32> to vector<16xi32>
      %swap3A_79 = vector.shape_cast %select_n3A_65 : vector<16xi32> to vector<16xi32>
      tpu.vector_store %arg11[%swap3A_76], %swap3A_79 {strides = array<i32>} : memref<32xi32, #tpu.memory_space<vmem>>, vector<16xi32>,
      %get3A_80 = arith.constant 14 : index
      %get3A_81 = tpu.vector_load %arg11[%get3A_80] {strides = array<i32>} : memref<32xi32, #tpu.memory_space<vmem>>, vector<16xi32>,
      %get3A_82 = vector.shape_cast %get3A_81 : vector<16xi32> to vector<16xi32>
      %select_n3A_83 = arith.select %ne3A_71, %get3A_82, %select_n3A_65 : vector<16xi1>, vector<16xi32>
      %and3A_84 = arith.constant 1 : i32
      %and3A_85 = vector.broadcast %and3A_84 : i32 to vector<16xi32>
      %and3A_86 = arith.andi %iota3A, %and3A_85 : vector<16xi32>
      %ne3A_87 = arith.constant 0 : i32
      %ne3A_88 = vector.broadcast %ne3A_87 : i32 to vector<16xi32>
      %ne3A_89 = arith.cmpi ne, %and3A_86, %ne3A_88 : vector<16xi32>
      %swap3A_90 = arith.constant 0 : index
      %swap3A_91 = tpu.vector_load %arg11[%swap3A_90] {strides = array<i32>} : memref<32xi32, #tpu.memory_space<vmem>>, vector<16xi32>,
      %swap3A_92 = vector.shape_cast %swap3A_91 : vector<16xi32> to vector<16xi32>
      %swap3A_93 = vector.shape_cast %select_n3A_83 : vector<16xi32> to vector<16xi32>
      tpu.vector_store %arg11[%swap3A_90], %swap3A_93 {strides = array<i32>} : memref<32xi32, #tpu.memory_space<vmem>>, vector<16xi32>,
      %swap3A_94 = arith.constant 16 : index
      %swap3A_95 = tpu.vector_load %arg11[%swap3A_94] {strides = array<i32>} : memref<32xi32, #tpu.memory_space<vmem>>, vector<16xi32>,
      %swap3A_96 = vector.shape_cast %swap3A_95 : vector<16xi32> to vector<16xi32>
      %swap3A_97 = vector.shape_cast %select_n3A_83 : vector<16xi32> to vector<16xi32>
      tpu.vector_store %arg11[%swap3A_94], %swap3A_97 {strides = array<i32>} : memref<32xi32, #tpu.memory_space<vmem>>, vector<16xi32>,
      %get3A_98 = arith.constant 15 : index
      %get3A_99 = tpu.vector_load %arg11[%get3A_98] {strides = array<i32>} : memref<32xi32, #tpu.memory_space<vmem>>, vector<16xi32>,
      %get3A_100 = vector.shape_cast %get3A_99 : vector<16xi32> to vector<16xi32>
      %select_n3A_101 = arith.select %ne3A_89, %get3A_100, %select_n3A_83 : vector<16xi1>, vector<16xi32>
      %get3A_102 = arith.constant 0 : index
      %get3A_103 = tpu.vector_load %arg9[%get3A_102] {strides = array<i32>} : memref<16xi32, #tpu.memory_space<vmem>>, vector<16xi32>,
      %get3A_104 = vector.shape_cast %get3A_103 : vector<16xi32> to vector<16xi32>
      %swap3A_105 = arith.constant 0 : index
      %swap3A_106 = tpu.vector_load %arg11[%swap3A_105] {strides = array<i32>} : memref<32xi32, #tpu.memory_space<vmem>>, vector<16xi32>,
      %swap3A_107 = vector.shape_cast %swap3A_106 : vector<16xi32> to vector<16xi32>
      %swap3A_108 = vector.shape_cast %get3A_104 : vector<16xi32> to vector<16xi32>
      tpu.vector_store %arg11[%swap3A_105], %swap3A_108 {strides = array<i32>} : memref<32xi32, #tpu.memory_space<vmem>>, vector<16xi32>,
      %swap3A_109 = arith.constant 16 : index
      %swap3A_110 = tpu.vector_load %arg11[%swap3A_109] {strides = array<i32>} : memref<32xi32, #tpu.memory_space<vmem>>, vector<16xi32>,
      %swap3A_111 = vector.shape_cast %swap3A_110 : vector<16xi32> to vector<16xi32>
      %swap3A_112 = vector.shape_cast %get3A_104 : vector<16xi32> to vector<16xi32>
      tpu.vector_store %arg11[%swap3A_109], %swap3A_112 {strides = array<i32>} : memref<32xi32, #tpu.memory_space<vmem>>, vector<16xi32>,
      %get3A_113 = arith.index_cast %add3A : i32 to index
      %get3A_114 = tpu.vector_load %arg11[%get3A_113] {strides = array<i32>} : memref<32xi32, #tpu.memory_space<vmem>>, vector<16xi32>,
      %get3A_115 = vector.shape_cast %get3A_114 : vector<16xi32> to vector<16xi32>
      %and3A_116 = arith.constant 8 : i32
      %and3A_117 = vector.broadcast %and3A_116 : i32 to vector<16xi32>
      %and3A_118 = arith.andi %iota3A, %and3A_117 : vector<16xi32>
      %ne3A_119 = arith.constant 0 : i32
      %ne3A_120 = vector.broadcast %ne3A_119 : i32 to vector<16xi32>
      %ne3A_121 = arith.cmpi ne, %and3A_118, %ne3A_120 : vector<16xi32>
      %swap3A_122 = arith.constant 0 : index
      %swap3A_123 = tpu.vector_load %arg11[%swap3A_122] {strides = array<i32>} : memref<32xi32, #tpu.memory_space<vmem>>, vector<16xi32>,
      %swap3A_124 = vector.shape_cast %swap3A_123 : vector<16xi32> to vector<16xi32>
      %swap3A_125 = vector.shape_cast %get3A_115 : vector<16xi32> to vector<16xi32>
      tpu.vector_store %arg11[%swap3A_122], %swap3A_125 {strides = array<i32>} : memref<32xi32, #tpu.memory_space<vmem>>, vector<16xi32>,
      %swap3A_126 = arith.constant 16 : index
      %swap3A_127 = tpu.vector_load %arg11[%swap3A_126] {strides = array<i32>} : memref<32xi32, #tpu.memory_space<vmem>>, vector<16xi32>,
      %swap3A_128 = vector.shape_cast %swap3A_127 : vector<16xi32> to vector<16xi32>
      %swap3A_129 = vector.shape_cast %get3A_115 : vector<16xi32> to vector<16xi32>
      tpu.vector_store %arg11[%swap3A_126], %swap3A_129 {strides = array<i32>} : memref<32xi32, #tpu.memory_space<vmem>>, vector<16xi32>,
      %get3A_130 = arith.constant 8 : index
      %get3A_131 = tpu.vector_load %arg11[%get3A_130] {strides = array<i32>} : memref<32xi32, #tpu.memory_space<vmem>>, vector<16xi32>,
      %get3A_132 = vector.shape_cast %get3A_131 : vector<16xi32> to vector<16xi32>
      %select_n3A_133 = arith.select %ne3A_121, %get3A_132, %get3A_115 : vector<16xi1>, vector<16xi32>
      %and3A_134 = arith.constant 4 : i32
      %and3A_135 = vector.broadcast %and3A_134 : i32 to vector<16xi32>
      %and3A_136 = arith.andi %iota3A, %and3A_135 : vector<16xi32>
      %ne3A_137 = arith.constant 0 : i32
      %ne3A_138 = vector.broadcast %ne3A_137 : i32 to vector<16xi32>
      %ne3A_139 = arith.cmpi ne, %and3A_136, %ne3A_138 : vector<16xi32>
      %swap3A_140 = arith.constant 0 : index
      %swap3A_141 = tpu.vector_load %arg11[%swap3A_140] {strides = array<i32>} : memref<32xi32, #tpu.memory_space<vmem>>, vector<16xi32>,
      %swap3A_142 = vector.shape_cast %swap3A_141 : vector<16xi32> to vector<16xi32>
      %swap3A_143 = vector.shape_cast %select_n3A_133 : vector<16xi32> to vector<16xi32>
      tpu.vector_store %arg11[%swap3A_140], %swap3A_143 {strides = array<i32>} : memref<32xi32, #tpu.memory_space<vmem>>, vector<16xi32>,
      %swap3A_144 = arith.constant 16 : index
      %swap3A_145 = tpu.vector_load %arg11[%swap3A_144] {strides = array<i32>} : memref<32xi32, #tpu.memory_space<vmem>>, vector<16xi32>,
      %swap3A_146 = vector.shape_cast %swap3A_145 : vector<16xi32> to vector<16xi32>
      %swap3A_147 = vector.shape_cast %select_n3A_133 : vector<16xi32> to vector<16xi32>
      tpu.vector_store %arg11[%swap3A_144], %swap3A_147 {strides = array<i32>} : memref<32xi32, #tpu.memory_space<vmem>>, vector<16xi32>,
      %get3A_148 = arith.constant 12 : index
      %get3A_149 = tpu.vector_load %arg11[%get3A_148] {strides = array<i32>} : memref<32xi32, #tpu.memory_space<vmem>>, vector<16xi32>,
      %get3A_150 = vector.shape_cast %get3A_149 : vector<16xi32> to vector<16xi32>
      %select_n3A_151 = arith.select %ne3A_139, %get3A_150, %select_n3A_133 : vector<16xi1>, vector<16xi32>
      %and3A_152 = arith.constant 2 : i32
      %and3A_153 = vector.broadcast %and3A_152 : i32 to vector<16xi32>
      %and3A_154 = arith.andi %iota3A, %and3A_153 : vector<16xi32>
      %ne3A_155 = arith.constant 0 : i32
      %ne3A_156 = vector.broadcast %ne3A_155 : i32 to vector<16xi32>
      %ne3A_157 = arith.cmpi ne, %and3A_154, %ne3A_156 : vector<16xi32>
      %swap3A_158 = arith.constant 0 : index
      %swap3A_159 = tpu.vector_load %arg11[%swap3A_158] {strides = array<i32>} : memref<32xi32, #tpu.memory_space<vmem>>, vector<16xi32>,
      %swap3A_160 = vector.shape_cast %swap3A_159 : vector<16xi32> to vector<16xi32>
      %swap3A_161 = vector.shape_cast %select_n3A_151 : vector<16xi32> to vector<16xi32>
      tpu.vector_store %arg11[%swap3A_158], %swap3A_161 {strides = array<i32>} : memref<32xi32, #tpu.memory_space<vmem>>, vector<16xi32>,
      %swap3A_162 = arith.constant 16 : index
      %swap3A_163 = tpu.vector_load %arg11[%swap3A_162] {strides = array<i32>} : memref<32xi32, #tpu.memory_space<vmem>>, vector<16xi32>,
      %swap3A_164 = vector.shape_cast %swap3A_163 : vector<16xi32> to vector<16xi32>
      %swap3A_165 = vector.shape_cast %select_n3A_151 : vector<16xi32> to vector<16xi32>
      tpu.vector_store %arg11[%swap3A_162], %swap3A_165 {strides = array<i32>} : memref<32xi32, #tpu.memory_space<vmem>>, vector<16xi32>,
      %get3A_166 = arith.constant 14 : index
      %get3A_167 = tpu.vector_load %arg11[%get3A_166] {strides = array<i32>} : memref<32xi32, #tpu.memory_space<vmem>>, vector<16xi32>,
      %get3A_168 = vector.shape_cast %get3A_167 : vector<16xi32> to vector<16xi32>
      %select_n3A_169 = arith.select %ne3A_157, %get3A_168, %select_n3A_151 : vector<16xi1>, vector<16xi32>
      %and3A_170 = arith.constant 1 : i32
      %and3A_171 = vector.broadcast %and3A_170 : i32 to vector<16xi32>
      %and3A_172 = arith.andi %iota3A, %and3A_171 : vector<16xi32>
      %ne3A_173 = arith.constant 0 : i32
      %ne3A_174 = vector.broadcast %ne3A_173 : i32 to vector<16xi32>
      %ne3A_175 = arith.cmpi ne, %and3A_172, %ne3A_174 : vector<16xi32>
      %swap3A_176 = arith.constant 0 : index
      %swap3A_177 = tpu.vector_load %arg11[%swap3A_176] {strides = array<i32>} : memref<32xi32, #tpu.memory_space<vmem>>, vector<16xi32>,
      %swap3A_178 = vector.shape_cast %swap3A_177 : vector<16xi32> to vector<16xi32>
      %swap3A_179 = vector.shape_cast %select_n3A_169 : vector<16xi32> to vector<16xi32>
      tpu.vector_store %arg11[%swap3A_176], %swap3A_179 {strides = array<i32>} : memref<32xi32, #tpu.memory_space<vmem>>, vector<16xi32>,
      %swap3A_180 = arith.constant 16 : index
      %swap3A_181 = tpu.vector_load %arg11[%swap3A_180] {strides = array<i32>} : memref<32xi32, #tpu.memory_space<vmem>>, vector<16xi32>,
      %swap3A_182 = vector.shape_cast %swap3A_181 : vector<16xi32> to vector<16xi32>
      %swap3A_183 = vector.shape_cast %select_n3A_169 : vector<16xi32> to vector<16xi32>
      tpu.vector_store %arg11[%swap3A_180], %swap3A_183 {strides = array<i32>} : memref<32xi32, #tpu.memory_space<vmem>>, vector<16xi32>,
      %get3A_184 = arith.constant 15 : index
      %get3A_185 = tpu.vector_load %arg11[%get3A_184] {strides = array<i32>} : memref<32xi32, #tpu.memory_space<vmem>>, vector<16xi32>,
      %get3A_186 = vector.shape_cast %get3A_185 : vector<16xi32> to vector<16xi32>
      %select_n3A_187 = arith.select %ne3A_175, %get3A_186, %select_n3A_169 : vector<16xi1>, vector<16xi32>
      %dma_wait3A_188 = tpu.memref_slice %arg2[%multiple_of3A] : memref<80000xi32, #tpu.memory_space<hbm>> -> memref<10000xi32, #tpu.memory_space<hbm>>
      %dma_wait3A_189 = tpu.memref_slice %arg2[%multiple_of3A] : memref<80000xi32, #tpu.memory_space<hbm>> -> memref<10000xi32, #tpu.memory_space<hbm>>
      tpu.wait_dma2 semaphore(%arg13 : memref<!tpu.dma_semaphore, #tpu.memory_space<semaphore_mem>>) src(%dma_wait3A_189 : memref<10000xi32, #tpu.memory_space<hbm>>) dst(%arg7 : memref<10000xi32, #tpu.memory_space<vmem>>)
      %broadcast_in_dim3A = arith.constant 0 : i32
      %broadcast_in_dim3A_190 = vector.broadcast %broadcast_in_dim3A : i32 to vector<16xi32>
      %sub3A = arith.constant 1 : i32
      %sub3A_191 = vector.broadcast %sub3A : i32 to vector<16xi32>
      %sub3A_192 = arith.subi %broadcast_in_dim3A_190, %sub3A_191 : vector<16xi32>
      %scan3A = arith.constant 0 : i32
      %scan3A_193 = arith.constant 624 : i32
      %scan3A_194 = arith.addi %scan3A, %scan3A_193 : i32
      %scan3A_195 = arith.constant 8 : i32
      %scan3A_196 = scf.for %scan3A_473 = %scan3A to %scan3A_194 step %scan3A_195 iter_args(%scan3A_474 = %sub3A_192) -> (vector<16xi32>)  : i32 {
        %mul3A_475 = arith.constant 16 : i32
        %mul3A_476 = arith.muli %scan3A_473, %mul3A_475 : i32
        %get3A_477 = arith.index_cast %mul3A_476 : i32 to index
        %get3A_478 = tpu.vector_load %arg7[%get3A_477] {strides = array<i32>} : memref<10000xi32, #tpu.memory_space<vmem>>, vector<16xi32>,
        %get3A_479 = vector.shape_cast %get3A_478 : vector<16xi32> to vector<16xi32>
        %mul3A_480 = arith.constant 16 : i32
        %mul3A_481 = arith.muli %scan3A_473, %mul3A_480 : i32
        %add3A_482 = vector.broadcast %mul3A_481 : i32 to vector<16xi32>
        %add3A_483 = arith.addi %iota3A, %add3A_482 : vector<16xi32>
        %eq3A_484 = arith.cmpi eq, %get3A_479, %select_n3A_101 : vector<16xi32>
        %jit3A_485 = arith.constant -1 : i32
        %broadcast_in_dim3A_486 = vector.broadcast %jit3A_485 : i32 to vector<16xi32>
        %select_n3A_487 = arith.select %eq3A_484, %add3A_483, %broadcast_in_dim3A_486 : vector<16xi1>, vector<16xi32>
        %max3A_488 = arith.maxsi %scan3A_474, %select_n3A_487 : vector<16xi32>
        %scan3A_489 = arith.constant 1 : i32
        %scan3A_490 = arith.addi %scan3A_473, %scan3A_489 : i32
        %mul3A_491 = arith.constant 16 : i32
        %mul3A_492 = arith.muli %scan3A_490, %mul3A_491 : i32
        %get3A_493 = arith.index_cast %mul3A_492 : i32 to index
        %get3A_494 = tpu.vector_load %arg7[%get3A_493] {strides = array<i32>} : memref<10000xi32, #tpu.memory_space<vmem>>, vector<16xi32>,
        %get3A_495 = vector.shape_cast %get3A_494 : vector<16xi32> to vector<16xi32>
        %mul3A_496 = arith.constant 16 : i32
        %mul3A_497 = arith.muli %scan3A_490, %mul3A_496 : i32
        %add3A_498 = vector.broadcast %mul3A_497 : i32 to vector<16xi32>
        %add3A_499 = arith.addi %iota3A, %add3A_498 : vector<16xi32>
        %eq3A_500 = arith.cmpi eq, %get3A_495, %select_n3A_101 : vector<16xi32>
        %jit3A_501 = arith.constant -1 : i32
        %broadcast_in_dim3A_502 = vector.broadcast %jit3A_501 : i32 to vector<16xi32>
        %select_n3A_503 = arith.select %eq3A_500, %add3A_499, %broadcast_in_dim3A_502 : vector<16xi1>, vector<16xi32>
        %max3A_504 = arith.maxsi %max3A_488, %select_n3A_503 : vector<16xi32>
        %scan3A_505 = arith.constant 2 : i32
        %scan3A_506 = arith.addi %scan3A_473, %scan3A_505 : i32
        %mul3A_507 = arith.constant 16 : i32
        %mul3A_508 = arith.muli %scan3A_506, %mul3A_507 : i32
        %get3A_509 = arith.index_cast %mul3A_508 : i32 to index
        %get3A_510 = tpu.vector_load %arg7[%get3A_509] {strides = array<i32>} : memref<10000xi32, #tpu.memory_space<vmem>>, vector<16xi32>,
        %get3A_511 = vector.shape_cast %get3A_510 : vector<16xi32> to vector<16xi32>
        %mul3A_512 = arith.constant 16 : i32
        %mul3A_513 = arith.muli %scan3A_506, %mul3A_512 : i32
        %add3A_514 = vector.broadcast %mul3A_513 : i32 to vector<16xi32>
        %add3A_515 = arith.addi %iota3A, %add3A_514 : vector<16xi32>
        %eq3A_516 = arith.cmpi eq, %get3A_511, %select_n3A_101 : vector<16xi32>
        %jit3A_517 = arith.constant -1 : i32
        %broadcast_in_dim3A_518 = vector.broadcast %jit3A_517 : i32 to vector<16xi32>
        %select_n3A_519 = arith.select %eq3A_516, %add3A_515, %broadcast_in_dim3A_518 : vector<16xi1>, vector<16xi32>
        %max3A_520 = arith.maxsi %max3A_504, %select_n3A_519 : vector<16xi32>
        %scan3A_521 = arith.constant 3 : i32
        %scan3A_522 = arith.addi %scan3A_473, %scan3A_521 : i32
        %mul3A_523 = arith.constant 16 : i32
        %mul3A_524 = arith.muli %scan3A_522, %mul3A_523 : i32
        %get3A_525 = arith.index_cast %mul3A_524 : i32 to index
        %get3A_526 = tpu.vector_load %arg7[%get3A_525] {strides = array<i32>} : memref<10000xi32, #tpu.memory_space<vmem>>, vector<16xi32>,
        %get3A_527 = vector.shape_cast %get3A_526 : vector<16xi32> to vector<16xi32>
        %mul3A_528 = arith.constant 16 : i32
        %mul3A_529 = arith.muli %scan3A_522, %mul3A_528 : i32
        %add3A_530 = vector.broadcast %mul3A_529 : i32 to vector<16xi32>
        %add3A_531 = arith.addi %iota3A, %add3A_530 : vector<16xi32>
        %eq3A_532 = arith.cmpi eq, %get3A_527, %select_n3A_101 : vector<16xi32>
        %jit3A_533 = arith.constant -1 : i32
        %broadcast_in_dim3A_534 = vector.broadcast %jit3A_533 : i32 to vector<16xi32>
        %select_n3A_535 = arith.select %eq3A_532, %add3A_531, %broadcast_in_dim3A_534 : vector<16xi1>, vector<16xi32>
        %max3A_536 = arith.maxsi %max3A_520, %select_n3A_535 : vector<16xi32>
        %scan3A_537 = arith.constant 4 : i32
        %scan3A_538 = arith.addi %scan3A_473, %scan3A_537 : i32
        %mul3A_539 = arith.constant 16 : i32
        %mul3A_540 = arith.muli %scan3A_538, %mul3A_539 : i32
        %get3A_541 = arith.index_cast %mul3A_540 : i32 to index
        %get3A_542 = tpu.vector_load %arg7[%get3A_541] {strides = array<i32>} : memref<10000xi32, #tpu.memory_space<vmem>>, vector<16xi32>,
        %get3A_543 = vector.shape_cast %get3A_542 : vector<16xi32> to vector<16xi32>
        %mul3A_544 = arith.constant 16 : i32
        %mul3A_545 = arith.muli %scan3A_538, %mul3A_544 : i32
        %add3A_546 = vector.broadcast %mul3A_545 : i32 to vector<16xi32>
        %add3A_547 = arith.addi %iota3A, %add3A_546 : vector<16xi32>
        %eq3A_548 = arith.cmpi eq, %get3A_543, %select_n3A_101 : vector<16xi32>
        %jit3A_549 = arith.constant -1 : i32
        %broadcast_in_dim3A_550 = vector.broadcast %jit3A_549 : i32 to vector<16xi32>
        %select_n3A_551 = arith.select %eq3A_548, %add3A_547, %broadcast_in_dim3A_550 : vector<16xi1>, vector<16xi32>
        %max3A_552 = arith.maxsi %max3A_536, %select_n3A_551 : vector<16xi32>
        %scan3A_553 = arith.constant 5 : i32
        %scan3A_554 = arith.addi %scan3A_473, %scan3A_553 : i32
        %mul3A_555 = arith.constant 16 : i32
        %mul3A_556 = arith.muli %scan3A_554, %mul3A_555 : i32
        %get3A_557 = arith.index_cast %mul3A_556 : i32 to index
        %get3A_558 = tpu.vector_load %arg7[%get3A_557] {strides = array<i32>} : memref<10000xi32, #tpu.memory_space<vmem>>, vector<16xi32>,
        %get3A_559 = vector.shape_cast %get3A_558 : vector<16xi32> to vector<16xi32>
        %mul3A_560 = arith.constant 16 : i32
        %mul3A_561 = arith.muli %scan3A_554, %mul3A_560 : i32
        %add3A_562 = vector.broadcast %mul3A_561 : i32 to vector<16xi32>
        %add3A_563 = arith.addi %iota3A, %add3A_562 : vector<16xi32>
        %eq3A_564 = arith.cmpi eq, %get3A_559, %select_n3A_101 : vector<16xi32>
        %jit3A_565 = arith.constant -1 : i32
        %broadcast_in_dim3A_566 = vector.broadcast %jit3A_565 : i32 to vector<16xi32>
        %select_n3A_567 = arith.select %eq3A_564, %add3A_563, %broadcast_in_dim3A_566 : vector<16xi1>, vector<16xi32>
        %max3A_568 = arith.maxsi %max3A_552, %select_n3A_567 : vector<16xi32>
        %scan3A_569 = arith.constant 6 : i32
        %scan3A_570 = arith.addi %scan3A_473, %scan3A_569 : i32
        %mul3A_571 = arith.constant 16 : i32
        %mul3A_572 = arith.muli %scan3A_570, %mul3A_571 : i32
        %get3A_573 = arith.index_cast %mul3A_572 : i32 to index
        %get3A_574 = tpu.vector_load %arg7[%get3A_573] {strides = array<i32>} : memref<10000xi32, #tpu.memory_space<vmem>>, vector<16xi32>,
        %get3A_575 = vector.shape_cast %get3A_574 : vector<16xi32> to vector<16xi32>
        %mul3A_576 = arith.constant 16 : i32
        %mul3A_577 = arith.muli %scan3A_570, %mul3A_576 : i32
        %add3A_578 = vector.broadcast %mul3A_577 : i32 to vector<16xi32>
        %add3A_579 = arith.addi %iota3A, %add3A_578 : vector<16xi32>
        %eq3A_580 = arith.cmpi eq, %get3A_575, %select_n3A_101 : vector<16xi32>
        %jit3A_581 = arith.constant -1 : i32
        %broadcast_in_dim3A_582 = vector.broadcast %jit3A_581 : i32 to vector<16xi32>
        %select_n3A_583 = arith.select %eq3A_580, %add3A_579, %broadcast_in_dim3A_582 : vector<16xi1>, vector<16xi32>
        %max3A_584 = arith.maxsi %max3A_568, %select_n3A_583 : vector<16xi32>
        %scan3A_585 = arith.constant 7 : i32
        %scan3A_586 = arith.addi %scan3A_473, %scan3A_585 : i32
        %mul3A_587 = arith.constant 16 : i32
        %mul3A_588 = arith.muli %scan3A_586, %mul3A_587 : i32
        %get3A_589 = arith.index_cast %mul3A_588 : i32 to index
        %get3A_590 = tpu.vector_load %arg7[%get3A_589] {strides = array<i32>} : memref<10000xi32, #tpu.memory_space<vmem>>, vector<16xi32>,
        %get3A_591 = vector.shape_cast %get3A_590 : vector<16xi32> to vector<16xi32>
        %mul3A_592 = arith.constant 16 : i32
        %mul3A_593 = arith.muli %scan3A_586, %mul3A_592 : i32
        %add3A_594 = vector.broadcast %mul3A_593 : i32 to vector<16xi32>
        %add3A_595 = arith.addi %iota3A, %add3A_594 : vector<16xi32>
        %eq3A_596 = arith.cmpi eq, %get3A_591, %select_n3A_101 : vector<16xi32>
        %jit3A_597 = arith.constant -1 : i32
        %broadcast_in_dim3A_598 = vector.broadcast %jit3A_597 : i32 to vector<16xi32>
        %select_n3A_599 = arith.select %eq3A_596, %add3A_595, %broadcast_in_dim3A_598 : vector<16xi1>, vector<16xi32>
        %max3A_600 = arith.maxsi %max3A_584, %select_n3A_599 : vector<16xi32>
        scf.yield %max3A_600 : vector<16xi32>
      }
      %scan3A_197 = arith.constant 624 : i32
      %scan3A_198 = arith.addi %scan3A, %scan3A_197 : i32
      %mul3A_199 = arith.constant 16 : i32
      %mul3A_200 = arith.muli %scan3A_198, %mul3A_199 : i32
      %get3A_201 = arith.index_cast %mul3A_200 : i32 to index
      %get3A_202 = tpu.vector_load %arg7[%get3A_201] {strides = array<i32>} : memref<10000xi32, #tpu.memory_space<vmem>>, vector<16xi32>,
      %get3A_203 = vector.shape_cast %get3A_202 : vector<16xi32> to vector<16xi32>
      %mul3A_204 = arith.constant 16 : i32
      %mul3A_205 = arith.muli %scan3A_198, %mul3A_204 : i32
      %add3A_206 = vector.broadcast %mul3A_205 : i32 to vector<16xi32>
      %add3A_207 = arith.addi %iota3A, %add3A_206 : vector<16xi32>
      %eq3A = arith.cmpi eq, %get3A_203, %select_n3A_101 : vector<16xi32>
      %jit3A = arith.constant -1 : i32
      %broadcast_in_dim3A_208 = vector.broadcast %jit3A : i32 to vector<16xi32>
      %select_n3A_209 = arith.select %eq3A, %add3A_207, %broadcast_in_dim3A_208 : vector<16xi1>, vector<16xi32>
      %max3A = arith.maxsi %scan3A_196, %select_n3A_209 : vector<16xi32>
      %scan3A_210 = arith.constant 625 : i32
      %swap3A_211 = arith.constant 0 : index
      %swap3A_212 = tpu.vector_load %arg11[%swap3A_211] {strides = array<i32>} : memref<32xi32, #tpu.memory_space<vmem>>, vector<16xi32>,
      %swap3A_213 = vector.shape_cast %swap3A_212 : vector<16xi32> to vector<16xi32>
      %swap3A_214 = vector.shape_cast %max3A : vector<16xi32> to vector<16xi32>
      tpu.vector_store %arg11[%swap3A_211], %swap3A_214 {strides = array<i32>} : memref<32xi32, #tpu.memory_space<vmem>>, vector<16xi32>,
      %swap3A_215 = arith.constant 16 : index
      %swap3A_216 = tpu.vector_load %arg11[%swap3A_215] {strides = array<i32>} : memref<32xi32, #tpu.memory_space<vmem>>, vector<16xi32>,
      %swap3A_217 = vector.shape_cast %swap3A_216 : vector<16xi32> to vector<16xi32>
      %swap3A_218 = vector.shape_cast %max3A : vector<16xi32> to vector<16xi32>
      tpu.vector_store %arg11[%swap3A_215], %swap3A_218 {strides = array<i32>} : memref<32xi32, #tpu.memory_space<vmem>>, vector<16xi32>,
      %get3A_219 = arith.constant 8 : index
      %get3A_220 = tpu.vector_load %arg11[%get3A_219] {strides = array<i32>} : memref<32xi32, #tpu.memory_space<vmem>>, vector<16xi32>,
      %get3A_221 = vector.shape_cast %get3A_220 : vector<16xi32> to vector<16xi32>
      %max3A_222 = arith.maxsi %max3A, %get3A_221 : vector<16xi32>
      %swap3A_223 = arith.constant 0 : index
      %swap3A_224 = tpu.vector_load %arg11[%swap3A_223] {strides = array<i32>} : memref<32xi32, #tpu.memory_space<vmem>>, vector<16xi32>,
      %swap3A_225 = vector.shape_cast %swap3A_224 : vector<16xi32> to vector<16xi32>
      %swap3A_226 = vector.shape_cast %max3A_222 : vector<16xi32> to vector<16xi32>
      tpu.vector_store %arg11[%swap3A_223], %swap3A_226 {strides = array<i32>} : memref<32xi32, #tpu.memory_space<vmem>>, vector<16xi32>,
      %swap3A_227 = arith.constant 16 : index
      %swap3A_228 = tpu.vector_load %arg11[%swap3A_227] {strides = array<i32>} : memref<32xi32, #tpu.memory_space<vmem>>, vector<16xi32>,
      %swap3A_229 = vector.shape_cast %swap3A_228 : vector<16xi32> to vector<16xi32>
      %swap3A_230 = vector.shape_cast %max3A_222 : vector<16xi32> to vector<16xi32>
      tpu.vector_store %arg11[%swap3A_227], %swap3A_230 {strides = array<i32>} : memref<32xi32, #tpu.memory_space<vmem>>, vector<16xi32>,
      %get3A_231 = arith.constant 4 : index
      %get3A_232 = tpu.vector_load %arg11[%get3A_231] {strides = array<i32>} : memref<32xi32, #tpu.memory_space<vmem>>, vector<16xi32>,
      %get3A_233 = vector.shape_cast %get3A_232 : vector<16xi32> to vector<16xi32>
      %max3A_234 = arith.maxsi %max3A_222, %get3A_233 : vector<16xi32>
      %swap3A_235 = arith.constant 0 : index
      %swap3A_236 = tpu.vector_load %arg11[%swap3A_235] {strides = array<i32>} : memref<32xi32, #tpu.memory_space<vmem>>, vector<16xi32>,
      %swap3A_237 = vector.shape_cast %swap3A_236 : vector<16xi32> to vector<16xi32>
      %swap3A_238 = vector.shape_cast %max3A_234 : vector<16xi32> to vector<16xi32>
      tpu.vector_store %arg11[%swap3A_235], %swap3A_238 {strides = array<i32>} : memref<32xi32, #tpu.memory_space<vmem>>, vector<16xi32>,
      %swap3A_239 = arith.constant 16 : index
      %swap3A_240 = tpu.vector_load %arg11[%swap3A_239] {strides = array<i32>} : memref<32xi32, #tpu.memory_space<vmem>>, vector<16xi32>,
      %swap3A_241 = vector.shape_cast %swap3A_240 : vector<16xi32> to vector<16xi32>
      %swap3A_242 = vector.shape_cast %max3A_234 : vector<16xi32> to vector<16xi32>
      tpu.vector_store %arg11[%swap3A_239], %swap3A_242 {strides = array<i32>} : memref<32xi32, #tpu.memory_space<vmem>>, vector<16xi32>,
      %get3A_243 = arith.constant 2 : index
      %get3A_244 = tpu.vector_load %arg11[%get3A_243] {strides = array<i32>} : memref<32xi32, #tpu.memory_space<vmem>>, vector<16xi32>,
      %get3A_245 = vector.shape_cast %get3A_244 : vector<16xi32> to vector<16xi32>
      %max3A_246 = arith.maxsi %max3A_234, %get3A_245 : vector<16xi32>
      %swap3A_247 = arith.constant 0 : index
      %swap3A_248 = tpu.vector_load %arg11[%swap3A_247] {strides = array<i32>} : memref<32xi32, #tpu.memory_space<vmem>>, vector<16xi32>,
      %swap3A_249 = vector.shape_cast %swap3A_248 : vector<16xi32> to vector<16xi32>
      %swap3A_250 = vector.shape_cast %max3A_246 : vector<16xi32> to vector<16xi32>
      tpu.vector_store %arg11[%swap3A_247], %swap3A_250 {strides = array<i32>} : memref<32xi32, #tpu.memory_space<vmem>>, vector<16xi32>,
      %swap3A_251 = arith.constant 16 : index
      %swap3A_252 = tpu.vector_load %arg11[%swap3A_251] {strides = array<i32>} : memref<32xi32, #tpu.memory_space<vmem>>, vector<16xi32>,
      %swap3A_253 = vector.shape_cast %swap3A_252 : vector<16xi32> to vector<16xi32>
      %swap3A_254 = vector.shape_cast %max3A_246 : vector<16xi32> to vector<16xi32>
      tpu.vector_store %arg11[%swap3A_251], %swap3A_254 {strides = array<i32>} : memref<32xi32, #tpu.memory_space<vmem>>, vector<16xi32>,
      %get3A_255 = arith.constant 1 : index
      %get3A_256 = tpu.vector_load %arg11[%get3A_255] {strides = array<i32>} : memref<32xi32, #tpu.memory_space<vmem>>, vector<16xi32>,
      %get3A_257 = vector.shape_cast %get3A_256 : vector<16xi32> to vector<16xi32>
      %max3A_258 = arith.maxsi %max3A_246, %get3A_257 : vector<16xi32>
      %broadcast_in_dim3A_259 = arith.constant 0 : i32
      %broadcast_in_dim3A_260 = vector.broadcast %broadcast_in_dim3A_259 : i32 to vector<16xi32>
      %sub3A_261 = arith.constant 1 : i32
      %sub3A_262 = vector.broadcast %sub3A_261 : i32 to vector<16xi32>
      %sub3A_263 = arith.subi %broadcast_in_dim3A_260, %sub3A_262 : vector<16xi32>
      %scan3A_264 = arith.constant 0 : i32
      %scan3A_265 = arith.constant 624 : i32
      %scan3A_266 = arith.addi %scan3A_264, %scan3A_265 : i32
      %scan3A_267 = arith.constant 8 : i32
      %scan3A_268 = scf.for %scan3A_473 = %scan3A_264 to %scan3A_266 step %scan3A_267 iter_args(%scan3A_474 = %sub3A_263) -> (vector<16xi32>)  : i32 {
        %mul3A_475 = arith.constant 16 : i32
        %mul3A_476 = arith.muli %scan3A_473, %mul3A_475 : i32
        %get3A_477 = arith.index_cast %mul3A_476 : i32 to index
        %get3A_478 = tpu.vector_load %arg7[%get3A_477] {strides = array<i32>} : memref<10000xi32, #tpu.memory_space<vmem>>, vector<16xi32>,
        %get3A_479 = vector.shape_cast %get3A_478 : vector<16xi32> to vector<16xi32>
        %mul3A_480 = arith.constant 16 : i32
        %mul3A_481 = arith.muli %scan3A_473, %mul3A_480 : i32
        %add3A_482 = vector.broadcast %mul3A_481 : i32 to vector<16xi32>
        %add3A_483 = arith.addi %iota3A, %add3A_482 : vector<16xi32>
        %eq3A_484 = arith.cmpi eq, %get3A_479, %max3A_258 : vector<16xi32>
        %jit3A_485 = arith.constant -1 : i32
        %broadcast_in_dim3A_486 = vector.broadcast %jit3A_485 : i32 to vector<16xi32>
        %select_n3A_487 = arith.select %eq3A_484, %add3A_483, %broadcast_in_dim3A_486 : vector<16xi1>, vector<16xi32>
        %max3A_488 = arith.maxsi %scan3A_474, %select_n3A_487 : vector<16xi32>
        %scan3A_489 = arith.constant 1 : i32
        %scan3A_490 = arith.addi %scan3A_473, %scan3A_489 : i32
        %mul3A_491 = arith.constant 16 : i32
        %mul3A_492 = arith.muli %scan3A_490, %mul3A_491 : i32
        %get3A_493 = arith.index_cast %mul3A_492 : i32 to index
        %get3A_494 = tpu.vector_load %arg7[%get3A_493] {strides = array<i32>} : memref<10000xi32, #tpu.memory_space<vmem>>, vector<16xi32>,
        %get3A_495 = vector.shape_cast %get3A_494 : vector<16xi32> to vector<16xi32>
        %mul3A_496 = arith.constant 16 : i32
        %mul3A_497 = arith.muli %scan3A_490, %mul3A_496 : i32
        %add3A_498 = vector.broadcast %mul3A_497 : i32 to vector<16xi32>
        %add3A_499 = arith.addi %iota3A, %add3A_498 : vector<16xi32>
        %eq3A_500 = arith.cmpi eq, %get3A_495, %max3A_258 : vector<16xi32>
        %jit3A_501 = arith.constant -1 : i32
        %broadcast_in_dim3A_502 = vector.broadcast %jit3A_501 : i32 to vector<16xi32>
        %select_n3A_503 = arith.select %eq3A_500, %add3A_499, %broadcast_in_dim3A_502 : vector<16xi1>, vector<16xi32>
        %max3A_504 = arith.maxsi %max3A_488, %select_n3A_503 : vector<16xi32>
        %scan3A_505 = arith.constant 2 : i32
        %scan3A_506 = arith.addi %scan3A_473, %scan3A_505 : i32
        %mul3A_507 = arith.constant 16 : i32
        %mul3A_508 = arith.muli %scan3A_506, %mul3A_507 : i32
        %get3A_509 = arith.index_cast %mul3A_508 : i32 to index
        %get3A_510 = tpu.vector_load %arg7[%get3A_509] {strides = array<i32>} : memref<10000xi32, #tpu.memory_space<vmem>>, vector<16xi32>,
        %get3A_511 = vector.shape_cast %get3A_510 : vector<16xi32> to vector<16xi32>
        %mul3A_512 = arith.constant 16 : i32
        %mul3A_513 = arith.muli %scan3A_506, %mul3A_512 : i32
        %add3A_514 = vector.broadcast %mul3A_513 : i32 to vector<16xi32>
        %add3A_515 = arith.addi %iota3A, %add3A_514 : vector<16xi32>
        %eq3A_516 = arith.cmpi eq, %get3A_511, %max3A_258 : vector<16xi32>
        %jit3A_517 = arith.constant -1 : i32
        %broadcast_in_dim3A_518 = vector.broadcast %jit3A_517 : i32 to vector<16xi32>
        %select_n3A_519 = arith.select %eq3A_516, %add3A_515, %broadcast_in_dim3A_518 : vector<16xi1>, vector<16xi32>
        %max3A_520 = arith.maxsi %max3A_504, %select_n3A_519 : vector<16xi32>
        %scan3A_521 = arith.constant 3 : i32
        %scan3A_522 = arith.addi %scan3A_473, %scan3A_521 : i32
        %mul3A_523 = arith.constant 16 : i32
        %mul3A_524 = arith.muli %scan3A_522, %mul3A_523 : i32
        %get3A_525 = arith.index_cast %mul3A_524 : i32 to index
        %get3A_526 = tpu.vector_load %arg7[%get3A_525] {strides = array<i32>} : memref<10000xi32, #tpu.memory_space<vmem>>, vector<16xi32>,
        %get3A_527 = vector.shape_cast %get3A_526 : vector<16xi32> to vector<16xi32>
        %mul3A_528 = arith.constant 16 : i32
        %mul3A_529 = arith.muli %scan3A_522, %mul3A_528 : i32
        %add3A_530 = vector.broadcast %mul3A_529 : i32 to vector<16xi32>
        %add3A_531 = arith.addi %iota3A, %add3A_530 : vector<16xi32>
        %eq3A_532 = arith.cmpi eq, %get3A_527, %max3A_258 : vector<16xi32>
        %jit3A_533 = arith.constant -1 : i32
        %broadcast_in_dim3A_534 = vector.broadcast %jit3A_533 : i32 to vector<16xi32>
        %select_n3A_535 = arith.select %eq3A_532, %add3A_531, %broadcast_in_dim3A_534 : vector<16xi1>, vector<16xi32>
        %max3A_536 = arith.maxsi %max3A_520, %select_n3A_535 : vector<16xi32>
        %scan3A_537 = arith.constant 4 : i32
        %scan3A_538 = arith.addi %scan3A_473, %scan3A_537 : i32
        %mul3A_539 = arith.constant 16 : i32
        %mul3A_540 = arith.muli %scan3A_538, %mul3A_539 : i32
        %get3A_541 = arith.index_cast %mul3A_540 : i32 to index
        %get3A_542 = tpu.vector_load %arg7[%get3A_541] {strides = array<i32>} : memref<10000xi32, #tpu.memory_space<vmem>>, vector<16xi32>,
        %get3A_543 = vector.shape_cast %get3A_542 : vector<16xi32> to vector<16xi32>
        %mul3A_544 = arith.constant 16 : i32
        %mul3A_545 = arith.muli %scan3A_538, %mul3A_544 : i32
        %add3A_546 = vector.broadcast %mul3A_545 : i32 to vector<16xi32>
        %add3A_547 = arith.addi %iota3A, %add3A_546 : vector<16xi32>
        %eq3A_548 = arith.cmpi eq, %get3A_543, %max3A_258 : vector<16xi32>
        %jit3A_549 = arith.constant -1 : i32
        %broadcast_in_dim3A_550 = vector.broadcast %jit3A_549 : i32 to vector<16xi32>
        %select_n3A_551 = arith.select %eq3A_548, %add3A_547, %broadcast_in_dim3A_550 : vector<16xi1>, vector<16xi32>
        %max3A_552 = arith.maxsi %max3A_536, %select_n3A_551 : vector<16xi32>
        %scan3A_553 = arith.constant 5 : i32
        %scan3A_554 = arith.addi %scan3A_473, %scan3A_553 : i32
        %mul3A_555 = arith.constant 16 : i32
        %mul3A_556 = arith.muli %scan3A_554, %mul3A_555 : i32
        %get3A_557 = arith.index_cast %mul3A_556 : i32 to index
        %get3A_558 = tpu.vector_load %arg7[%get3A_557] {strides = array<i32>} : memref<10000xi32, #tpu.memory_space<vmem>>, vector<16xi32>,
        %get3A_559 = vector.shape_cast %get3A_558 : vector<16xi32> to vector<16xi32>
        %mul3A_560 = arith.constant 16 : i32
        %mul3A_561 = arith.muli %scan3A_554, %mul3A_560 : i32
        %add3A_562 = vector.broadcast %mul3A_561 : i32 to vector<16xi32>
        %add3A_563 = arith.addi %iota3A, %add3A_562 : vector<16xi32>
        %eq3A_564 = arith.cmpi eq, %get3A_559, %max3A_258 : vector<16xi32>
        %jit3A_565 = arith.constant -1 : i32
        %broadcast_in_dim3A_566 = vector.broadcast %jit3A_565 : i32 to vector<16xi32>
        %select_n3A_567 = arith.select %eq3A_564, %add3A_563, %broadcast_in_dim3A_566 : vector<16xi1>, vector<16xi32>
        %max3A_568 = arith.maxsi %max3A_552, %select_n3A_567 : vector<16xi32>
        %scan3A_569 = arith.constant 6 : i32
        %scan3A_570 = arith.addi %scan3A_473, %scan3A_569 : i32
        %mul3A_571 = arith.constant 16 : i32
        %mul3A_572 = arith.muli %scan3A_570, %mul3A_571 : i32
        %get3A_573 = arith.index_cast %mul3A_572 : i32 to index
        %get3A_574 = tpu.vector_load %arg7[%get3A_573] {strides = array<i32>} : memref<10000xi32, #tpu.memory_space<vmem>>, vector<16xi32>,
        %get3A_575 = vector.shape_cast %get3A_574 : vector<16xi32> to vector<16xi32>
        %mul3A_576 = arith.constant 16 : i32
        %mul3A_577 = arith.muli %scan3A_570, %mul3A_576 : i32
        %add3A_578 = vector.broadcast %mul3A_577 : i32 to vector<16xi32>
        %add3A_579 = arith.addi %iota3A, %add3A_578 : vector<16xi32>
        %eq3A_580 = arith.cmpi eq, %get3A_575, %max3A_258 : vector<16xi32>
        %jit3A_581 = arith.constant -1 : i32
        %broadcast_in_dim3A_582 = vector.broadcast %jit3A_581 : i32 to vector<16xi32>
        %select_n3A_583 = arith.select %eq3A_580, %add3A_579, %broadcast_in_dim3A_582 : vector<16xi1>, vector<16xi32>
        %max3A_584 = arith.maxsi %max3A_568, %select_n3A_583 : vector<16xi32>
        %scan3A_585 = arith.constant 7 : i32
        %scan3A_586 = arith.addi %scan3A_473, %scan3A_585 : i32
        %mul3A_587 = arith.constant 16 : i32
        %mul3A_588 = arith.muli %scan3A_586, %mul3A_587 : i32
        %get3A_589 = arith.index_cast %mul3A_588 : i32 to index
        %get3A_590 = tpu.vector_load %arg7[%get3A_589] {strides = array<i32>} : memref<10000xi32, #tpu.memory_space<vmem>>, vector<16xi32>,
        %get3A_591 = vector.shape_cast %get3A_590 : vector<16xi32> to vector<16xi32>
        %mul3A_592 = arith.constant 16 : i32
        %mul3A_593 = arith.muli %scan3A_586, %mul3A_592 : i32
        %add3A_594 = vector.broadcast %mul3A_593 : i32 to vector<16xi32>
        %add3A_595 = arith.addi %iota3A, %add3A_594 : vector<16xi32>
        %eq3A_596 = arith.cmpi eq, %get3A_591, %max3A_258 : vector<16xi32>
        %jit3A_597 = arith.constant -1 : i32
        %broadcast_in_dim3A_598 = vector.broadcast %jit3A_597 : i32 to vector<16xi32>
        %select_n3A_599 = arith.select %eq3A_596, %add3A_595, %broadcast_in_dim3A_598 : vector<16xi1>, vector<16xi32>
        %max3A_600 = arith.maxsi %max3A_584, %select_n3A_599 : vector<16xi32>
        scf.yield %max3A_600 : vector<16xi32>
      }
      %scan3A_269 = arith.constant 624 : i32
      %scan3A_270 = arith.addi %scan3A_264, %scan3A_269 : i32
      %mul3A_271 = arith.constant 16 : i32
      %mul3A_272 = arith.muli %scan3A_270, %mul3A_271 : i32
      %get3A_273 = arith.index_cast %mul3A_272 : i32 to index
      %get3A_274 = tpu.vector_load %arg7[%get3A_273] {strides = array<i32>} : memref<10000xi32, #tpu.memory_space<vmem>>, vector<16xi32>,
      %get3A_275 = vector.shape_cast %get3A_274 : vector<16xi32> to vector<16xi32>
      %mul3A_276 = arith.constant 16 : i32
      %mul3A_277 = arith.muli %scan3A_270, %mul3A_276 : i32
      %add3A_278 = vector.broadcast %mul3A_277 : i32 to vector<16xi32>
      %add3A_279 = arith.addi %iota3A, %add3A_278 : vector<16xi32>
      %eq3A_280 = arith.cmpi eq, %get3A_275, %max3A_258 : vector<16xi32>
      %jit3A_281 = arith.constant -1 : i32
      %broadcast_in_dim3A_282 = vector.broadcast %jit3A_281 : i32 to vector<16xi32>
      %select_n3A_283 = arith.select %eq3A_280, %add3A_279, %broadcast_in_dim3A_282 : vector<16xi1>, vector<16xi32>
      %max3A_284 = arith.maxsi %scan3A_268, %select_n3A_283 : vector<16xi32>
      %scan3A_285 = arith.constant 625 : i32
      %swap3A_286 = arith.constant 0 : index
      %swap3A_287 = tpu.vector_load %arg11[%swap3A_286] {strides = array<i32>} : memref<32xi32, #tpu.memory_space<vmem>>, vector<16xi32>,
      %swap3A_288 = vector.shape_cast %swap3A_287 : vector<16xi32> to vector<16xi32>
      %swap3A_289 = vector.shape_cast %max3A_284 : vector<16xi32> to vector<16xi32>
      tpu.vector_store %arg11[%swap3A_286], %swap3A_289 {strides = array<i32>} : memref<32xi32, #tpu.memory_space<vmem>>, vector<16xi32>,
      %swap3A_290 = arith.constant 16 : index
      %swap3A_291 = tpu.vector_load %arg11[%swap3A_290] {strides = array<i32>} : memref<32xi32, #tpu.memory_space<vmem>>, vector<16xi32>,
      %swap3A_292 = vector.shape_cast %swap3A_291 : vector<16xi32> to vector<16xi32>
      %swap3A_293 = vector.shape_cast %max3A_284 : vector<16xi32> to vector<16xi32>
      tpu.vector_store %arg11[%swap3A_290], %swap3A_293 {strides = array<i32>} : memref<32xi32, #tpu.memory_space<vmem>>, vector<16xi32>,
      %get3A_294 = arith.constant 8 : index
      %get3A_295 = tpu.vector_load %arg11[%get3A_294] {strides = array<i32>} : memref<32xi32, #tpu.memory_space<vmem>>, vector<16xi32>,
      %get3A_296 = vector.shape_cast %get3A_295 : vector<16xi32> to vector<16xi32>
      %max3A_297 = arith.maxsi %max3A_284, %get3A_296 : vector<16xi32>
      %swap3A_298 = arith.constant 0 : index
      %swap3A_299 = tpu.vector_load %arg11[%swap3A_298] {strides = array<i32>} : memref<32xi32, #tpu.memory_space<vmem>>, vector<16xi32>,
      %swap3A_300 = vector.shape_cast %swap3A_299 : vector<16xi32> to vector<16xi32>
      %swap3A_301 = vector.shape_cast %max3A_297 : vector<16xi32> to vector<16xi32>
      tpu.vector_store %arg11[%swap3A_298], %swap3A_301 {strides = array<i32>} : memref<32xi32, #tpu.memory_space<vmem>>, vector<16xi32>,
      %swap3A_302 = arith.constant 16 : index
      %swap3A_303 = tpu.vector_load %arg11[%swap3A_302] {strides = array<i32>} : memref<32xi32, #tpu.memory_space<vmem>>, vector<16xi32>,
      %swap3A_304 = vector.shape_cast %swap3A_303 : vector<16xi32> to vector<16xi32>
      %swap3A_305 = vector.shape_cast %max3A_297 : vector<16xi32> to vector<16xi32>
      tpu.vector_store %arg11[%swap3A_302], %swap3A_305 {strides = array<i32>} : memref<32xi32, #tpu.memory_space<vmem>>, vector<16xi32>,
      %get3A_306 = arith.constant 4 : index
      %get3A_307 = tpu.vector_load %arg11[%get3A_306] {strides = array<i32>} : memref<32xi32, #tpu.memory_space<vmem>>, vector<16xi32>,
      %get3A_308 = vector.shape_cast %get3A_307 : vector<16xi32> to vector<16xi32>
      %max3A_309 = arith.maxsi %max3A_297, %get3A_308 : vector<16xi32>
      %swap3A_310 = arith.constant 0 : index
      %swap3A_311 = tpu.vector_load %arg11[%swap3A_310] {strides = array<i32>} : memref<32xi32, #tpu.memory_space<vmem>>, vector<16xi32>,
      %swap3A_312 = vector.shape_cast %swap3A_311 : vector<16xi32> to vector<16xi32>
      %swap3A_313 = vector.shape_cast %max3A_309 : vector<16xi32> to vector<16xi32>
      tpu.vector_store %arg11[%swap3A_310], %swap3A_313 {strides = array<i32>} : memref<32xi32, #tpu.memory_space<vmem>>, vector<16xi32>,
      %swap3A_314 = arith.constant 16 : index
      %swap3A_315 = tpu.vector_load %arg11[%swap3A_314] {strides = array<i32>} : memref<32xi32, #tpu.memory_space<vmem>>, vector<16xi32>,
      %swap3A_316 = vector.shape_cast %swap3A_315 : vector<16xi32> to vector<16xi32>
      %swap3A_317 = vector.shape_cast %max3A_309 : vector<16xi32> to vector<16xi32>
      tpu.vector_store %arg11[%swap3A_314], %swap3A_317 {strides = array<i32>} : memref<32xi32, #tpu.memory_space<vmem>>, vector<16xi32>,
      %get3A_318 = arith.constant 2 : index
      %get3A_319 = tpu.vector_load %arg11[%get3A_318] {strides = array<i32>} : memref<32xi32, #tpu.memory_space<vmem>>, vector<16xi32>,
      %get3A_320 = vector.shape_cast %get3A_319 : vector<16xi32> to vector<16xi32>
      %max3A_321 = arith.maxsi %max3A_309, %get3A_320 : vector<16xi32>
      %swap3A_322 = arith.constant 0 : index
      %swap3A_323 = tpu.vector_load %arg11[%swap3A_322] {strides = array<i32>} : memref<32xi32, #tpu.memory_space<vmem>>, vector<16xi32>,
      %swap3A_324 = vector.shape_cast %swap3A_323 : vector<16xi32> to vector<16xi32>
      %swap3A_325 = vector.shape_cast %max3A_321 : vector<16xi32> to vector<16xi32>
      tpu.vector_store %arg11[%swap3A_322], %swap3A_325 {strides = array<i32>} : memref<32xi32, #tpu.memory_space<vmem>>, vector<16xi32>,
      %swap3A_326 = arith.constant 16 : index
      %swap3A_327 = tpu.vector_load %arg11[%swap3A_326] {strides = array<i32>} : memref<32xi32, #tpu.memory_space<vmem>>, vector<16xi32>,
      %swap3A_328 = vector.shape_cast %swap3A_327 : vector<16xi32> to vector<16xi32>
      %swap3A_329 = vector.shape_cast %max3A_321 : vector<16xi32> to vector<16xi32>
      tpu.vector_store %arg11[%swap3A_326], %swap3A_329 {strides = array<i32>} : memref<32xi32, #tpu.memory_space<vmem>>, vector<16xi32>,
      %get3A_330 = arith.constant 1 : index
      %get3A_331 = tpu.vector_load %arg11[%get3A_330] {strides = array<i32>} : memref<32xi32, #tpu.memory_space<vmem>>, vector<16xi32>,
      %get3A_332 = vector.shape_cast %get3A_331 : vector<16xi32> to vector<16xi32>
      %max3A_333 = arith.maxsi %max3A_321, %get3A_332 : vector<16xi32>
      %eq3A_334 = arith.constant 1 : i32
      %eq3A_335 = vector.broadcast %eq3A_334 : i32 to vector<16xi32>
      %eq3A_336 = arith.cmpi eq, %iota3A, %eq3A_335 : vector<16xi32>
      %select_n3A_337 = arith.select %eq3A_336, %select_n3A_187, %select_n3A_101 : vector<16xi1>, vector<16xi32>
      %eq3A_338 = arith.constant 2 : i32
      %eq3A_339 = vector.broadcast %eq3A_338 : i32 to vector<16xi32>
      %eq3A_340 = arith.cmpi eq, %iota3A, %eq3A_339 : vector<16xi32>
      %max3A_341 = arith.constant 0 : i32
      %max3A_342 = vector.broadcast %max3A_341 : i32 to vector<16xi32>
      %max3A_343 = arith.maxsi %max3A_258, %max3A_342 : vector<16xi32>
      %select_n3A_344 = arith.select %eq3A_340, %max3A_343, %select_n3A_337 : vector<16xi1>, vector<16xi32>
      %ge3A = arith.constant 3 : i32
      %ge3A_345 = vector.broadcast %ge3A : i32 to vector<16xi32>
      %ge3A_346 = arith.cmpi sge, %iota3A, %ge3A_345 : vector<16xi32>
      %max3A_347 = arith.constant 0 : i32
      %max3A_348 = vector.broadcast %max3A_347 : i32 to vector<16xi32>
      %max3A_349 = arith.maxsi %max3A_333, %max3A_348 : vector<16xi32>
      %select_n3A_350 = arith.select %ge3A_346, %max3A_349, %select_n3A_344 : vector<16xi1>, vector<16xi32>
      %swap3A_351 = arith.constant 0 : index
      %swap3A_352 = tpu.vector_load %arg10[%swap3A_351] {strides = array<i32>} : memref<16xi32, #tpu.memory_space<vmem>>, vector<16xi32>,
      %swap3A_353 = vector.shape_cast %swap3A_352 : vector<16xi32> to vector<16xi32>
      %swap3A_354 = vector.shape_cast %select_n3A_350 : vector<16xi32> to vector<16xi32>
      tpu.vector_store %arg10[%swap3A_351], %swap3A_354 {strides = array<i32>} : memref<16xi32, #tpu.memory_space<vmem>>, vector<16xi32>,
      %dma_start3A_355 = arith.constant 0 : i32
      %dma_start3A_356 = arith.constant 0 : i32
      %dma_start3A_357 = tpu.memref_slice %arg5[%dma_start3A_355, %dma_start3A_356] : memref<10000x128xf32, #tpu.memory_space<hbm>> -> memref<10000x128xf32, #tpu.memory_space<hbm>>
      tpu.enqueue_indirect_dma source(%dma_start3A_357 : memref<10000x128xf32, #tpu.memory_space<hbm>>) target(%arg12 : memref<16x128xf32, #tpu.memory_space<vmem>>) offsets(%arg10 : memref<16xi32, #tpu.memory_space<vmem>>) semaphore(%arg15 : memref<!tpu.dma_semaphore, #tpu.memory_space<semaphore_mem>>)
      %dma_wait3A_358 = arith.constant 0 : i32
      %dma_wait3A_359 = arith.constant 0 : i32
      %dma_wait3A_360 = tpu.memref_slice %arg5[%dma_wait3A_358, %dma_wait3A_359] : memref<10000x128xf32, #tpu.memory_space<hbm>> -> memref<10000x128xf32, #tpu.memory_space<hbm>>
      tpu.wait_indirect_dma semaphore(%arg15 : memref<!tpu.dma_semaphore, #tpu.memory_space<semaphore_mem>>) src(%dma_wait3A_360 : memref<10000x128xf32, #tpu.memory_space<hbm>>) dst(%arg12 : memref<16x128xf32, #tpu.memory_space<vmem>>)
      %ge3A_361 = arith.constant 0 : i32
      %ge3A_362 = vector.broadcast %ge3A_361 : i32 to vector<16xi32>
      %ge3A_363 = arith.cmpi sge, %max3A_258, %ge3A_362 : vector<16xi32>
      %jit3A_364 = arith.constant 1.000000e+00 : f32
      %jit3A_365 = arith.constant 0.000000e+00 : f32
      %broadcast_in_dim3A_366 = vector.broadcast %jit3A_364 : f32 to vector<16xf32>
      %broadcast_in_dim3A_367 = vector.broadcast %jit3A_365 : f32 to vector<16xf32>
      %select_n3A_368 = arith.select %ge3A_363, %broadcast_in_dim3A_366, %broadcast_in_dim3A_367 : vector<16xi1>, vector<16xf32>
      %ge3A_369 = arith.constant 0 : i32
      %ge3A_370 = vector.broadcast %ge3A_369 : i32 to vector<16xi32>
      %ge3A_371 = arith.cmpi sge, %max3A_333, %ge3A_370 : vector<16xi32>
      %jit3A_372 = arith.constant 1.000000e+00 : f32
      %jit3A_373 = arith.constant 0.000000e+00 : f32
      %broadcast_in_dim3A_374 = vector.broadcast %jit3A_372 : f32 to vector<16xf32>
      %broadcast_in_dim3A_375 = vector.broadcast %jit3A_373 : f32 to vector<16xf32>
      %select_n3A_376 = arith.select %ge3A_371, %broadcast_in_dim3A_374, %broadcast_in_dim3A_375 : vector<16xi1>, vector<16xf32>
      %swap3A_377 = arith.constant 4 : i32
      %swap3A_378 = arith.index_cast %swap3A_377 : i32 to index
      %swap3A_379 = arith.constant 0 : index
      %swap3A_380 = tpu.vector_load %arg12[%swap3A_378, %swap3A_379] {strides = array<i32>} : memref<16x128xf32, #tpu.memory_space<vmem>>, vector<1x16xf32>,
      %swap3A_381 = vector.shape_cast %swap3A_380 : vector<1x16xf32> to vector<16xf32>
      %swap3A_382 = vector.shape_cast %select_n3A_368 : vector<16xf32> to vector<1x16xf32>
      tpu.vector_store %arg12[%swap3A_378, %swap3A_379], %swap3A_382 {strides = array<i32>} : memref<16x128xf32, #tpu.memory_space<vmem>>, vector<1x16xf32>,
      %swap3A_383 = arith.constant 5 : i32
      %swap3A_384 = arith.index_cast %swap3A_383 : i32 to index
      %swap3A_385 = arith.constant 0 : index
      %swap3A_386 = tpu.vector_load %arg12[%swap3A_384, %swap3A_385] {strides = array<i32>} : memref<16x128xf32, #tpu.memory_space<vmem>>, vector<1x16xf32>,
      %swap3A_387 = vector.shape_cast %swap3A_386 : vector<1x16xf32> to vector<16xf32>
      %swap3A_388 = vector.shape_cast %select_n3A_376 : vector<16xf32> to vector<1x16xf32>
      tpu.vector_store %arg12[%swap3A_384, %swap3A_385], %swap3A_388 {strides = array<i32>} : memref<16x128xf32, #tpu.memory_space<vmem>>, vector<1x16xf32>,
      %swap3A_389 = arith.constant 4 : i32
      %swap3A_390 = arith.index_cast %swap3A_389 : i32 to index
      %swap3A_391 = arith.constant 16 : index
      %swap3A_392 = tpu.vector_load %arg12[%swap3A_390, %swap3A_391] {strides = array<i32>} : memref<16x128xf32, #tpu.memory_space<vmem>>, vector<1x16xf32>,
      %swap3A_393 = vector.shape_cast %swap3A_392 : vector<1x16xf32> to vector<16xf32>
      %swap3A_394 = vector.shape_cast %select_n3A_368 : vector<16xf32> to vector<1x16xf32>
      tpu.vector_store %arg12[%swap3A_390, %swap3A_391], %swap3A_394 {strides = array<i32>} : memref<16x128xf32, #tpu.memory_space<vmem>>, vector<1x16xf32>,
      %swap3A_395 = arith.constant 5 : i32
      %swap3A_396 = arith.index_cast %swap3A_395 : i32 to index
      %swap3A_397 = arith.constant 16 : index
      %swap3A_398 = tpu.vector_load %arg12[%swap3A_396, %swap3A_397] {strides = array<i32>} : memref<16x128xf32, #tpu.memory_space<vmem>>, vector<1x16xf32>,
      %swap3A_399 = vector.shape_cast %swap3A_398 : vector<1x16xf32> to vector<16xf32>
      %swap3A_400 = vector.shape_cast %select_n3A_376 : vector<16xf32> to vector<1x16xf32>
      tpu.vector_store %arg12[%swap3A_396, %swap3A_397], %swap3A_400 {strides = array<i32>} : memref<16x128xf32, #tpu.memory_space<vmem>>, vector<1x16xf32>,
      %swap3A_401 = arith.constant 4 : i32
      %swap3A_402 = arith.index_cast %swap3A_401 : i32 to index
      %swap3A_403 = arith.constant 32 : index
      %swap3A_404 = tpu.vector_load %arg12[%swap3A_402, %swap3A_403] {strides = array<i32>} : memref<16x128xf32, #tpu.memory_space<vmem>>, vector<1x16xf32>,
      %swap3A_405 = vector.shape_cast %swap3A_404 : vector<1x16xf32> to vector<16xf32>
      %swap3A_406 = vector.shape_cast %select_n3A_368 : vector<16xf32> to vector<1x16xf32>
      tpu.vector_store %arg12[%swap3A_402, %swap3A_403], %swap3A_406 {strides = array<i32>} : memref<16x128xf32, #tpu.memory_space<vmem>>, vector<1x16xf32>,
      %swap3A_407 = arith.constant 5 : i32
      %swap3A_408 = arith.index_cast %swap3A_407 : i32 to index
      %swap3A_409 = arith.constant 32 : index
      %swap3A_410 = tpu.vector_load %arg12[%swap3A_408, %swap3A_409] {strides = array<i32>} : memref<16x128xf32, #tpu.memory_space<vmem>>, vector<1x16xf32>,
      %swap3A_411 = vector.shape_cast %swap3A_410 : vector<1x16xf32> to vector<16xf32>
      %swap3A_412 = vector.shape_cast %select_n3A_376 : vector<16xf32> to vector<1x16xf32>
      tpu.vector_store %arg12[%swap3A_408, %swap3A_409], %swap3A_412 {strides = array<i32>} : memref<16x128xf32, #tpu.memory_space<vmem>>, vector<1x16xf32>,
      %swap3A_413 = arith.constant 4 : i32
      %swap3A_414 = arith.index_cast %swap3A_413 : i32 to index
      %swap3A_415 = arith.constant 48 : index
      %swap3A_416 = tpu.vector_load %arg12[%swap3A_414, %swap3A_415] {strides = array<i32>} : memref<16x128xf32, #tpu.memory_space<vmem>>, vector<1x16xf32>,
      %swap3A_417 = vector.shape_cast %swap3A_416 : vector<1x16xf32> to vector<16xf32>
      %swap3A_418 = vector.shape_cast %select_n3A_368 : vector<16xf32> to vector<1x16xf32>
      tpu.vector_store %arg12[%swap3A_414, %swap3A_415], %swap3A_418 {strides = array<i32>} : memref<16x128xf32, #tpu.memory_space<vmem>>, vector<1x16xf32>,
      %swap3A_419 = arith.constant 5 : i32
      %swap3A_420 = arith.index_cast %swap3A_419 : i32 to index
      %swap3A_421 = arith.constant 48 : index
      %swap3A_422 = tpu.vector_load %arg12[%swap3A_420, %swap3A_421] {strides = array<i32>} : memref<16x128xf32, #tpu.memory_space<vmem>>, vector<1x16xf32>,
      %swap3A_423 = vector.shape_cast %swap3A_422 : vector<1x16xf32> to vector<16xf32>
      %swap3A_424 = vector.shape_cast %select_n3A_376 : vector<16xf32> to vector<1x16xf32>
      tpu.vector_store %arg12[%swap3A_420, %swap3A_421], %swap3A_424 {strides = array<i32>} : memref<16x128xf32, #tpu.memory_space<vmem>>, vector<1x16xf32>,
      %swap3A_425 = arith.constant 4 : i32
      %swap3A_426 = arith.index_cast %swap3A_425 : i32 to index
      %swap3A_427 = arith.constant 64 : index
      %swap3A_428 = tpu.vector_load %arg12[%swap3A_426, %swap3A_427] {strides = array<i32>} : memref<16x128xf32, #tpu.memory_space<vmem>>, vector<1x16xf32>,
      %swap3A_429 = vector.shape_cast %swap3A_428 : vector<1x16xf32> to vector<16xf32>
      %swap3A_430 = vector.shape_cast %select_n3A_368 : vector<16xf32> to vector<1x16xf32>
      tpu.vector_store %arg12[%swap3A_426, %swap3A_427], %swap3A_430 {strides = array<i32>} : memref<16x128xf32, #tpu.memory_space<vmem>>, vector<1x16xf32>,
      %swap3A_431 = arith.constant 5 : i32
      %swap3A_432 = arith.index_cast %swap3A_431 : i32 to index
      %swap3A_433 = arith.constant 64 : index
      %swap3A_434 = tpu.vector_load %arg12[%swap3A_432, %swap3A_433] {strides = array<i32>} : memref<16x128xf32, #tpu.memory_space<vmem>>, vector<1x16xf32>,
      %swap3A_435 = vector.shape_cast %swap3A_434 : vector<1x16xf32> to vector<16xf32>
      %swap3A_436 = vector.shape_cast %select_n3A_376 : vector<16xf32> to vector<1x16xf32>
      tpu.vector_store %arg12[%swap3A_432, %swap3A_433], %swap3A_436 {strides = array<i32>} : memref<16x128xf32, #tpu.memory_space<vmem>>, vector<1x16xf32>,
      %swap3A_437 = arith.constant 4 : i32
      %swap3A_438 = arith.index_cast %swap3A_437 : i32 to index
      %swap3A_439 = arith.constant 80 : index
      %swap3A_440 = tpu.vector_load %arg12[%swap3A_438, %swap3A_439] {strides = array<i32>} : memref<16x128xf32, #tpu.memory_space<vmem>>, vector<1x16xf32>,
      %swap3A_441 = vector.shape_cast %swap3A_440 : vector<1x16xf32> to vector<16xf32>
      %swap3A_442 = vector.shape_cast %select_n3A_368 : vector<16xf32> to vector<1x16xf32>
      tpu.vector_store %arg12[%swap3A_438, %swap3A_439], %swap3A_442 {strides = array<i32>} : memref<16x128xf32, #tpu.memory_space<vmem>>, vector<1x16xf32>,
      %swap3A_443 = arith.constant 5 : i32
      %swap3A_444 = arith.index_cast %swap3A_443 : i32 to index
      %swap3A_445 = arith.constant 80 : index
      %swap3A_446 = tpu.vector_load %arg12[%swap3A_444, %swap3A_445] {strides = array<i32>} : memref<16x128xf32, #tpu.memory_space<vmem>>, vector<1x16xf32>,
      %swap3A_447 = vector.shape_cast %swap3A_446 : vector<1x16xf32> to vector<16xf32>
      %swap3A_448 = vector.shape_cast %select_n3A_376 : vector<16xf32> to vector<1x16xf32>
      tpu.vector_store %arg12[%swap3A_444, %swap3A_445], %swap3A_448 {strides = array<i32>} : memref<16x128xf32, #tpu.memory_space<vmem>>, vector<1x16xf32>,
      %swap3A_449 = arith.constant 4 : i32
      %swap3A_450 = arith.index_cast %swap3A_449 : i32 to index
      %swap3A_451 = arith.constant 96 : index
      %swap3A_452 = tpu.vector_load %arg12[%swap3A_450, %swap3A_451] {strides = array<i32>} : memref<16x128xf32, #tpu.memory_space<vmem>>, vector<1x16xf32>,
      %swap3A_453 = vector.shape_cast %swap3A_452 : vector<1x16xf32> to vector<16xf32>
      %swap3A_454 = vector.shape_cast %select_n3A_368 : vector<16xf32> to vector<1x16xf32>
      tpu.vector_store %arg12[%swap3A_450, %swap3A_451], %swap3A_454 {strides = array<i32>} : memref<16x128xf32, #tpu.memory_space<vmem>>, vector<1x16xf32>,
      %swap3A_455 = arith.constant 5 : i32
      %swap3A_456 = arith.index_cast %swap3A_455 : i32 to index
      %swap3A_457 = arith.constant 96 : index
      %swap3A_458 = tpu.vector_load %arg12[%swap3A_456, %swap3A_457] {strides = array<i32>} : memref<16x128xf32, #tpu.memory_space<vmem>>, vector<1x16xf32>,
      %swap3A_459 = vector.shape_cast %swap3A_458 : vector<1x16xf32> to vector<16xf32>
      %swap3A_460 = vector.shape_cast %select_n3A_376 : vector<16xf32> to vector<1x16xf32>
      tpu.vector_store %arg12[%swap3A_456, %swap3A_457], %swap3A_460 {strides = array<i32>} : memref<16x128xf32, #tpu.memory_space<vmem>>, vector<1x16xf32>,
      %swap3A_461 = arith.constant 4 : i32
      %swap3A_462 = arith.index_cast %swap3A_461 : i32 to index
      %swap3A_463 = arith.constant 112 : index
      %swap3A_464 = tpu.vector_load %arg12[%swap3A_462, %swap3A_463] {strides = array<i32>} : memref<16x128xf32, #tpu.memory_space<vmem>>, vector<1x16xf32>,
      %swap3A_465 = vector.shape_cast %swap3A_464 : vector<1x16xf32> to vector<16xf32>
      %swap3A_466 = vector.shape_cast %select_n3A_368 : vector<16xf32> to vector<1x16xf32>
      tpu.vector_store %arg12[%swap3A_462, %swap3A_463], %swap3A_466 {strides = array<i32>} : memref<16x128xf32, #tpu.memory_space<vmem>>, vector<1x16xf32>,
      %swap3A_467 = arith.constant 5 : i32
      %swap3A_468 = arith.index_cast %swap3A_467 : i32 to index
      %swap3A_469 = arith.constant 112 : index
      %swap3A_470 = tpu.vector_load %arg12[%swap3A_468, %swap3A_469] {strides = array<i32>} : memref<16x128xf32, #tpu.memory_space<vmem>>, vector<1x16xf32>,
      %swap3A_471 = vector.shape_cast %swap3A_470 : vector<1x16xf32> to vector<16xf32>
      %swap3A_472 = vector.shape_cast %select_n3A_376 : vector<16xf32> to vector<1x16xf32>
      tpu.vector_store %arg12[%swap3A_468, %swap3A_469], %swap3A_472 {strides = array<i32>} : memref<16x128xf32, #tpu.memory_space<vmem>>, vector<1x16xf32>,
      "tpu.region"() ({
        %run_scoped3A = tpu.sem_alloc : memref<!tpu.dma_semaphore, #tpu.memory_space<semaphore_mem>>
        %dma_start3A_473 = arith.constant 0 : i32
        %dma_start3A_474 = arith.constant 0 : i32
        %dma_start3A_475 = tpu.memref_slice %arg12[%dma_start3A_473, %dma_start3A_474] : memref<16x128xf32, #tpu.memory_space<vmem>> -> memref<6x128xf32, #tpu.memory_space<vmem>>
        %dma_start3A_476 = arith.constant 0 : i32
        %dma_start3A_477 = arith.constant 0 : i32
        %dma_start3A_478 = tpu.memref_slice %arg6[%dma_start3A_476, %add3A, %dma_start3A_477] : memref<6x8x128xf32, #tpu.memory_space<hbm>> -> memref<6x1x128xf32, #tpu.memory_space<hbm>>
        %dma_start3A_479 = tpu.memref_squeeze %dma_start3A_478 : memref<6x1x128xf32, #tpu.memory_space<hbm>> -> memref<6x128xf32, #tpu.memory_space<hbm>>
        %dma_start3A_480 = arith.constant 0 : i32
        %dma_start3A_481 = arith.constant 0 : i32
        %dma_start3A_482 = tpu.memref_slice %arg6[%dma_start3A_480, %add3A, %dma_start3A_481] : memref<6x8x128xf32, #tpu.memory_space<hbm>> -> memref<6x1x128xf32, #tpu.memory_space<hbm>>
        %dma_start3A_483 = tpu.memref_squeeze %dma_start3A_482 : memref<6x1x128xf32, #tpu.memory_space<hbm>> -> memref<6x128xf32, #tpu.memory_space<hbm>>
        %dma_start3A_484 = arith.constant 0 : i32
        %dma_start3A_485 = arith.constant 0 : i32
        %dma_start3A_486 = tpu.memref_slice %arg12[%dma_start3A_484, %dma_start3A_485] : memref<16x128xf32, #tpu.memory_space<vmem>> -> memref<6x128xf32, #tpu.memory_space<vmem>>
        tpu.enqueue_dma source(%dma_start3A_486 : memref<6x128xf32, #tpu.memory_space<vmem>>) target(%dma_start3A_483 : memref<6x128xf32, #tpu.memory_space<hbm>>) target_semaphore(%run_scoped3A : memref<!tpu.dma_semaphore, #tpu.memory_space<semaphore_mem>>)
        %dma_wait3A_487 = arith.constant 0 : i32
        %dma_wait3A_488 = arith.constant 0 : i32
        %dma_wait3A_489 = tpu.memref_slice %arg12[%dma_wait3A_487, %dma_wait3A_488] : memref<16x128xf32, #tpu.memory_space<vmem>> -> memref<6x128xf32, #tpu.memory_space<vmem>>
        %dma_wait3A_490 = arith.constant 0 : i32
        %dma_wait3A_491 = arith.constant 0 : i32
        %dma_wait3A_492 = tpu.memref_slice %arg6[%dma_wait3A_490, %add3A, %dma_wait3A_491] : memref<6x8x128xf32, #tpu.memory_space<hbm>> -> memref<6x1x128xf32, #tpu.memory_space<hbm>>
        %dma_wait3A_493 = tpu.memref_squeeze %dma_wait3A_492 : memref<6x1x128xf32, #tpu.memory_space<hbm>> -> memref<6x128xf32, #tpu.memory_space<hbm>>
        %dma_wait3A_494 = arith.constant 0 : i32
        %dma_wait3A_495 = arith.constant 0 : i32
        %dma_wait3A_496 = tpu.memref_slice %arg6[%dma_wait3A_494, %add3A, %dma_wait3A_495] : memref<6x8x128xf32, #tpu.memory_space<hbm>> -> memref<6x1x128xf32, #tpu.memory_space<hbm>>
        %dma_wait3A_497 = tpu.memref_squeeze %dma_wait3A_496 : memref<6x1x128xf32, #tpu.memory_space<hbm>> -> memref<6x128xf32, #tpu.memory_space<hbm>>
        %dma_wait3A_498 = arith.constant 0 : i32
        %dma_wait3A_499 = arith.constant 0 : i32
        %dma_wait3A_500 = tpu.memref_slice %arg12[%dma_wait3A_498, %dma_wait3A_499] : memref<16x128xf32, #tpu.memory_space<vmem>> -> memref<6x128xf32, #tpu.memory_space<vmem>>
        tpu.wait_dma2 semaphore(%run_scoped3A : memref<!tpu.dma_semaphore, #tpu.memory_space<semaphore_mem>>) src(%dma_wait3A_500 : memref<6x128xf32, #tpu.memory_space<vmem>>) dst(%dma_wait3A_497 : memref<6x128xf32, #tpu.memory_space<hbm>>)
        tpu.yield
      }) : () -> ()
    } else {
    }
    return
  }
}

module attributes {stable_mosaic.version = 14 : i64} {
  func.func @_tc_dense_body(%arg0: memref<6x8x128xf32, #tpu.memory_space<vmem>>, %arg1: memref<256x128xf32, #tpu.memory_space<vmem>>, %arg2: memref<1x256xf32, #tpu.memory_space<vmem>>, %arg3: memref<128x256xf32, #tpu.memory_space<vmem>>, %arg4: memref<1x128xf32, #tpu.memory_space<vmem>>, %arg5: memref<384x128xf32, #tpu.memory_space<vmem>>, %arg6: memref<384x128xf32, #tpu.memory_space<vmem>>, %arg7: memref<1x384xf32, #tpu.memory_space<vmem>>, %arg8: memref<1x384xf32, #tpu.memory_space<vmem>>, %arg9: memref<128x256xf32, #tpu.memory_space<vmem>>, %arg10: memref<1x128xf32, #tpu.memory_space<vmem>>, %arg11: memref<10000x128xf32, #tpu.memory_space<vmem>>, %arg12: memref<1x10000xf32, #tpu.memory_space<vmem>>, %arg13: memref<8x10000xf32, #tpu.memory_space<vmem>>) attributes {dimension_semantics = [], scalar_prefetch = 0 : i64, scratch_operands = 0 : i64, tpu.core_type = #tpu.core_type<tc>} {
    %get3A = arith.constant 0 : index
    %get3A_0 = arith.constant 0 : index
    %get3A_1 = arith.constant 0 : index
    %get3A_2 = vector.load %arg0[%get3A, %get3A_0, %get3A_1] : memref<6x8x128xf32, #tpu.memory_space<vmem>>, vector<1x8x128xf32>
    %get3A_3 = vector.shape_cast %get3A_2 : vector<1x8x128xf32> to vector<8x128xf32>
    %get3A_4 = arith.constant 1 : index
    %get3A_5 = arith.constant 0 : index
    %get3A_6 = arith.constant 0 : index
    %get3A_7 = vector.load %arg0[%get3A_4, %get3A_5, %get3A_6] : memref<6x8x128xf32, #tpu.memory_space<vmem>>, vector<1x8x128xf32>
    %get3A_8 = vector.shape_cast %get3A_7 : vector<1x8x128xf32> to vector<8x128xf32>
    %get3A_9 = arith.constant 2 : index
    %get3A_10 = arith.constant 0 : index
    %get3A_11 = arith.constant 0 : index
    %get3A_12 = vector.load %arg0[%get3A_9, %get3A_10, %get3A_11] : memref<6x8x128xf32, #tpu.memory_space<vmem>>, vector<1x8x128xf32>
    %get3A_13 = vector.shape_cast %get3A_12 : vector<1x8x128xf32> to vector<8x128xf32>
    %get3A_14 = arith.constant 3 : index
    %get3A_15 = arith.constant 0 : index
    %get3A_16 = arith.constant 0 : index
    %get3A_17 = vector.load %arg0[%get3A_14, %get3A_15, %get3A_16] : memref<6x8x128xf32, #tpu.memory_space<vmem>>, vector<1x8x128xf32>
    %get3A_18 = vector.shape_cast %get3A_17 : vector<1x8x128xf32> to vector<8x128xf32>
    %get3A_19 = arith.constant 4 : index
    %get3A_20 = arith.constant 0 : index
    %get3A_21 = arith.constant 0 : index
    %get3A_22 = vector.load %arg0[%get3A_19, %get3A_20, %get3A_21] : memref<6x8x128xf32, #tpu.memory_space<vmem>>, vector<1x8x128xf32>
    %get3A_23 = vector.shape_cast %get3A_22 : vector<1x8x128xf32> to vector<8x128xf32>
    %get3A_24 = arith.constant 5 : index
    %get3A_25 = arith.constant 0 : index
    %get3A_26 = arith.constant 0 : index
    %get3A_27 = vector.load %arg0[%get3A_24, %get3A_25, %get3A_26] : memref<6x8x128xf32, #tpu.memory_space<vmem>>, vector<1x8x128xf32>
    %get3A_28 = vector.shape_cast %get3A_27 : vector<1x8x128xf32> to vector<8x128xf32>
    %get3A_29 = arith.constant 0 : index
    %get3A_30 = arith.constant 0 : index
    %get3A_31 = vector.load %arg1[%get3A_29, %get3A_30] : memref<256x128xf32, #tpu.memory_space<vmem>>, vector<256x128xf32>
    %dot_general3A = arith.constant dense<0.000000e+00> : vector<8x256xf32>
    %dot_general3A_32 = tpu.matmul %get3A_13, %get3A_31, %dot_general3A {dimension_numbers = #tpu.dot_dimension_numbers<[1], [1], [0], [0], [0, 0, 1, 0], [], []>, transpose_lhs_hint = false} : vector<8x128xf32>, vector<256x128xf32>, vector<8x256xf32> -> vector<8x256xf32>
    %get3A_33 = arith.constant 0 : index
    %get3A_34 = arith.constant 0 : index
    %get3A_35 = vector.load %arg2[%get3A_33, %get3A_34] : memref<1x256xf32, #tpu.memory_space<vmem>>, vector<1x256xf32>
    %add3A = vector.broadcast %get3A_35 : vector<1x256xf32> to vector<8x256xf32>
    %add3A_36 = arith.addf %dot_general3A_32, %add3A : vector<8x256xf32>
    %mul3A = arith.constant 5.000000e-01 : f32
    %mul3A_37 = vector.broadcast %mul3A : f32 to vector<8x256xf32>
    %mul3A_38 = arith.mulf %mul3A_37, %add3A_36 : vector<8x256xf32>
    %mul3A_39 = arith.constant 0.707106769 : f32
    %mul3A_40 = vector.broadcast %mul3A_39 : f32 to vector<8x256xf32>
    %mul3A_41 = arith.mulf %add3A_36, %mul3A_40 : vector<8x256xf32>
    %erf3A = math.erf %mul3A_41 : vector<8x256xf32>
    %add3A_42 = arith.constant 1.000000e+00 : f32
    %add3A_43 = vector.broadcast %add3A_42 : f32 to vector<8x256xf32>
    %add3A_44 = arith.addf %add3A_43, %erf3A : vector<8x256xf32>
    %mul3A_45 = arith.mulf %mul3A_38, %add3A_44 : vector<8x256xf32>
    %get3A_46 = arith.constant 0 : index
    %get3A_47 = arith.constant 0 : index
    %get3A_48 = vector.load %arg3[%get3A_46, %get3A_47] : memref<128x256xf32, #tpu.memory_space<vmem>>, vector<128x256xf32>
    %dot_general3A_49 = arith.constant dense<0.000000e+00> : vector<8x128xf32>
    %dot_general3A_50 = tpu.matmul %mul3A_45, %get3A_48, %dot_general3A_49 {dimension_numbers = #tpu.dot_dimension_numbers<[1], [1], [0], [0], [0, 0, 1, 0], [], []>, transpose_lhs_hint = false} : vector<8x256xf32>, vector<128x256xf32>, vector<8x128xf32> -> vector<8x128xf32>
    %get3A_51 = arith.constant 0 : index
    %get3A_52 = arith.constant 0 : index
    %get3A_53 = vector.load %arg4[%get3A_51, %get3A_52] : memref<1x128xf32, #tpu.memory_space<vmem>>, vector<1x128xf32>
    %add3A_54 = vector.broadcast %get3A_53 : vector<1x128xf32> to vector<8x128xf32>
    %add3A_55 = arith.addf %dot_general3A_50, %add3A_54 : vector<8x128xf32>
    %mul3A_56 = arith.mulf %get3A_23, %add3A_55 : vector<8x128xf32>
    %get3A_57 = arith.constant 0 : index
    %get3A_58 = arith.constant 0 : index
    %get3A_59 = vector.load %arg5[%get3A_57, %get3A_58] : memref<384x128xf32, #tpu.memory_space<vmem>>, vector<384x128xf32>
    %dot_general3A_60 = arith.constant dense<0.000000e+00> : vector<8x384xf32>
    %dot_general3A_61 = tpu.matmul %mul3A_56, %get3A_59, %dot_general3A_60 {dimension_numbers = #tpu.dot_dimension_numbers<[1], [1], [0], [0], [0, 0, 1, 0], [], []>, transpose_lhs_hint = false} : vector<8x128xf32>, vector<384x128xf32>, vector<8x384xf32> -> vector<8x384xf32>
    %get3A_62 = arith.constant 0 : index
    %get3A_63 = arith.constant 0 : index
    %get3A_64 = vector.load %arg7[%get3A_62, %get3A_63] : memref<1x384xf32, #tpu.memory_space<vmem>>, vector<1x384xf32>
    %add3A_65 = vector.broadcast %get3A_64 : vector<1x384xf32> to vector<8x384xf32>
    %add3A_66 = arith.addf %dot_general3A_61, %add3A_65 : vector<8x384xf32>
    %get3A_67 = arith.constant 0 : index
    %get3A_68 = arith.constant 0 : index
    %get3A_69 = vector.load %arg6[%get3A_67, %get3A_68] : memref<384x128xf32, #tpu.memory_space<vmem>>, vector<384x128xf32>
    %dot_general3A_70 = arith.constant dense<0.000000e+00> : vector<8x384xf32>
    %dot_general3A_71 = tpu.matmul %get3A_3, %get3A_69, %dot_general3A_70 {dimension_numbers = #tpu.dot_dimension_numbers<[1], [1], [0], [0], [0, 0, 1, 0], [], []>, transpose_lhs_hint = false} : vector<8x128xf32>, vector<384x128xf32>, vector<8x384xf32> -> vector<8x384xf32>
    %get3A_72 = arith.constant 0 : index
    %get3A_73 = arith.constant 0 : index
    %get3A_74 = vector.load %arg8[%get3A_72, %get3A_73] : memref<1x384xf32, #tpu.memory_space<vmem>>, vector<1x384xf32>
    %add3A_75 = vector.broadcast %get3A_74 : vector<1x384xf32> to vector<8x384xf32>
    %add3A_76 = arith.addf %dot_general3A_71, %add3A_75 : vector<8x384xf32>
    %slice3A = vector.extract_strided_slice %add3A_66 {offsets = [0, 0], sizes = [8, 128], strides = [1, 1]} : vector<8x384xf32> to vector<8x128xf32>
    %slice3A_77 = vector.extract_strided_slice %add3A_76 {offsets = [0, 0], sizes = [8, 128], strides = [1, 1]} : vector<8x384xf32> to vector<8x128xf32>
    %add3A_78 = arith.addf %slice3A, %slice3A_77 : vector<8x128xf32>
    %logistic3A = arith.negf %add3A_78 : vector<8x128xf32>
    %logistic3A_79 = math.exp %logistic3A : vector<8x128xf32>
    %logistic3A_80 = arith.constant 1.000000e+00 : f32
    %logistic3A_81 = vector.broadcast %logistic3A_80 : f32 to vector<8x128xf32>
    %logistic3A_82 = arith.addf %logistic3A_81, %logistic3A_79 : vector<8x128xf32>
    %logistic3A_83 = arith.divf %logistic3A_81, %logistic3A_82 : vector<8x128xf32>
    %slice3A_84 = vector.extract_strided_slice %add3A_66 {offsets = [0, 128], sizes = [8, 128], strides = [1, 1]} : vector<8x384xf32> to vector<8x128xf32>
    %slice3A_85 = vector.extract_strided_slice %add3A_76 {offsets = [0, 128], sizes = [8, 128], strides = [1, 1]} : vector<8x384xf32> to vector<8x128xf32>
    %add3A_86 = arith.addf %slice3A_84, %slice3A_85 : vector<8x128xf32>
    %logistic3A_87 = arith.negf %add3A_86 : vector<8x128xf32>
    %logistic3A_88 = math.exp %logistic3A_87 : vector<8x128xf32>
    %logistic3A_89 = arith.constant 1.000000e+00 : f32
    %logistic3A_90 = vector.broadcast %logistic3A_89 : f32 to vector<8x128xf32>
    %logistic3A_91 = arith.addf %logistic3A_90, %logistic3A_88 : vector<8x128xf32>
    %logistic3A_92 = arith.divf %logistic3A_90, %logistic3A_91 : vector<8x128xf32>
    %slice3A_93 = vector.extract_strided_slice %add3A_66 {offsets = [0, 256], sizes = [8, 128], strides = [1, 1]} : vector<8x384xf32> to vector<8x128xf32>
    %slice3A_94 = vector.extract_strided_slice %add3A_76 {offsets = [0, 256], sizes = [8, 128], strides = [1, 1]} : vector<8x384xf32> to vector<8x128xf32>
    %mul3A_95 = arith.mulf %logistic3A_83, %slice3A_94 : vector<8x128xf32>
    %add3A_96 = arith.addf %slice3A_93, %mul3A_95 : vector<8x128xf32>
    %tanh3A = math.tanh %add3A_96 : vector<8x128xf32>
    %sub3A = arith.constant 1.000000e+00 : f32
    %sub3A_97 = vector.broadcast %sub3A : f32 to vector<8x128xf32>
    %sub3A_98 = arith.subf %sub3A_97, %logistic3A_92 : vector<8x128xf32>
    %mul3A_99 = arith.mulf %sub3A_98, %tanh3A : vector<8x128xf32>
    %mul3A_100 = arith.mulf %logistic3A_92, %get3A_3 : vector<8x128xf32>
    %add3A_101 = arith.addf %mul3A_99, %mul3A_100 : vector<8x128xf32>
    %get3A_102 = arith.constant 0 : index
    %get3A_103 = arith.constant 0 : index
    %get3A_104 = vector.load %arg1[%get3A_102, %get3A_103] : memref<256x128xf32, #tpu.memory_space<vmem>>, vector<256x128xf32>
    %dot_general3A_105 = arith.constant dense<0.000000e+00> : vector<8x256xf32>
    %dot_general3A_106 = tpu.matmul %get3A_18, %get3A_104, %dot_general3A_105 {dimension_numbers = #tpu.dot_dimension_numbers<[1], [1], [0], [0], [0, 0, 1, 0], [], []>, transpose_lhs_hint = false} : vector<8x128xf32>, vector<256x128xf32>, vector<8x256xf32> -> vector<8x256xf32>
    %get3A_107 = arith.constant 0 : index
    %get3A_108 = arith.constant 0 : index
    %get3A_109 = vector.load %arg2[%get3A_107, %get3A_108] : memref<1x256xf32, #tpu.memory_space<vmem>>, vector<1x256xf32>
    %add3A_110 = vector.broadcast %get3A_109 : vector<1x256xf32> to vector<8x256xf32>
    %add3A_111 = arith.addf %dot_general3A_106, %add3A_110 : vector<8x256xf32>
    %mul3A_112 = arith.constant 5.000000e-01 : f32
    %mul3A_113 = vector.broadcast %mul3A_112 : f32 to vector<8x256xf32>
    %mul3A_114 = arith.mulf %mul3A_113, %add3A_111 : vector<8x256xf32>
    %mul3A_115 = arith.constant 0.707106769 : f32
    %mul3A_116 = vector.broadcast %mul3A_115 : f32 to vector<8x256xf32>
    %mul3A_117 = arith.mulf %add3A_111, %mul3A_116 : vector<8x256xf32>
    %erf3A_118 = math.erf %mul3A_117 : vector<8x256xf32>
    %add3A_119 = arith.constant 1.000000e+00 : f32
    %add3A_120 = vector.broadcast %add3A_119 : f32 to vector<8x256xf32>
    %add3A_121 = arith.addf %add3A_120, %erf3A_118 : vector<8x256xf32>
    %mul3A_122 = arith.mulf %mul3A_114, %add3A_121 : vector<8x256xf32>
    %get3A_123 = arith.constant 0 : index
    %get3A_124 = arith.constant 0 : index
    %get3A_125 = vector.load %arg3[%get3A_123, %get3A_124] : memref<128x256xf32, #tpu.memory_space<vmem>>, vector<128x256xf32>
    %dot_general3A_126 = arith.constant dense<0.000000e+00> : vector<8x128xf32>
    %dot_general3A_127 = tpu.matmul %mul3A_122, %get3A_125, %dot_general3A_126 {dimension_numbers = #tpu.dot_dimension_numbers<[1], [1], [0], [0], [0, 0, 1, 0], [], []>, transpose_lhs_hint = false} : vector<8x256xf32>, vector<128x256xf32>, vector<8x128xf32> -> vector<8x128xf32>
    %get3A_128 = arith.constant 0 : index
    %get3A_129 = arith.constant 0 : index
    %get3A_130 = vector.load %arg4[%get3A_128, %get3A_129] : memref<1x128xf32, #tpu.memory_space<vmem>>, vector<1x128xf32>
    %add3A_131 = vector.broadcast %get3A_130 : vector<1x128xf32> to vector<8x128xf32>
    %add3A_132 = arith.addf %dot_general3A_127, %add3A_131 : vector<8x128xf32>
    %mul3A_133 = arith.mulf %get3A_28, %add3A_132 : vector<8x128xf32>
    %get3A_134 = arith.constant 0 : index
    %get3A_135 = arith.constant 0 : index
    %get3A_136 = vector.load %arg5[%get3A_134, %get3A_135] : memref<384x128xf32, #tpu.memory_space<vmem>>, vector<384x128xf32>
    %dot_general3A_137 = arith.constant dense<0.000000e+00> : vector<8x384xf32>
    %dot_general3A_138 = tpu.matmul %mul3A_133, %get3A_136, %dot_general3A_137 {dimension_numbers = #tpu.dot_dimension_numbers<[1], [1], [0], [0], [0, 0, 1, 0], [], []>, transpose_lhs_hint = false} : vector<8x128xf32>, vector<384x128xf32>, vector<8x384xf32> -> vector<8x384xf32>
    %get3A_139 = arith.constant 0 : index
    %get3A_140 = arith.constant 0 : index
    %get3A_141 = vector.load %arg7[%get3A_139, %get3A_140] : memref<1x384xf32, #tpu.memory_space<vmem>>, vector<1x384xf32>
    %add3A_142 = vector.broadcast %get3A_141 : vector<1x384xf32> to vector<8x384xf32>
    %add3A_143 = arith.addf %dot_general3A_138, %add3A_142 : vector<8x384xf32>
    %get3A_144 = arith.constant 0 : index
    %get3A_145 = arith.constant 0 : index
    %get3A_146 = vector.load %arg6[%get3A_144, %get3A_145] : memref<384x128xf32, #tpu.memory_space<vmem>>, vector<384x128xf32>
    %dot_general3A_147 = arith.constant dense<0.000000e+00> : vector<8x384xf32>
    %dot_general3A_148 = tpu.matmul %get3A_13, %get3A_146, %dot_general3A_147 {dimension_numbers = #tpu.dot_dimension_numbers<[1], [1], [0], [0], [0, 0, 1, 0], [], []>, transpose_lhs_hint = false} : vector<8x128xf32>, vector<384x128xf32>, vector<8x384xf32> -> vector<8x384xf32>
    %get3A_149 = arith.constant 0 : index
    %get3A_150 = arith.constant 0 : index
    %get3A_151 = vector.load %arg8[%get3A_149, %get3A_150] : memref<1x384xf32, #tpu.memory_space<vmem>>, vector<1x384xf32>
    %add3A_152 = vector.broadcast %get3A_151 : vector<1x384xf32> to vector<8x384xf32>
    %add3A_153 = arith.addf %dot_general3A_148, %add3A_152 : vector<8x384xf32>
    %slice3A_154 = vector.extract_strided_slice %add3A_143 {offsets = [0, 0], sizes = [8, 128], strides = [1, 1]} : vector<8x384xf32> to vector<8x128xf32>
    %slice3A_155 = vector.extract_strided_slice %add3A_153 {offsets = [0, 0], sizes = [8, 128], strides = [1, 1]} : vector<8x384xf32> to vector<8x128xf32>
    %add3A_156 = arith.addf %slice3A_154, %slice3A_155 : vector<8x128xf32>
    %logistic3A_157 = arith.negf %add3A_156 : vector<8x128xf32>
    %logistic3A_158 = math.exp %logistic3A_157 : vector<8x128xf32>
    %logistic3A_159 = arith.constant 1.000000e+00 : f32
    %logistic3A_160 = vector.broadcast %logistic3A_159 : f32 to vector<8x128xf32>
    %logistic3A_161 = arith.addf %logistic3A_160, %logistic3A_158 : vector<8x128xf32>
    %logistic3A_162 = arith.divf %logistic3A_160, %logistic3A_161 : vector<8x128xf32>
    %slice3A_163 = vector.extract_strided_slice %add3A_143 {offsets = [0, 128], sizes = [8, 128], strides = [1, 1]} : vector<8x384xf32> to vector<8x128xf32>
    %slice3A_164 = vector.extract_strided_slice %add3A_153 {offsets = [0, 128], sizes = [8, 128], strides = [1, 1]} : vector<8x384xf32> to vector<8x128xf32>
    %add3A_165 = arith.addf %slice3A_163, %slice3A_164 : vector<8x128xf32>
    %logistic3A_166 = arith.negf %add3A_165 : vector<8x128xf32>
    %logistic3A_167 = math.exp %logistic3A_166 : vector<8x128xf32>
    %logistic3A_168 = arith.constant 1.000000e+00 : f32
    %logistic3A_169 = vector.broadcast %logistic3A_168 : f32 to vector<8x128xf32>
    %logistic3A_170 = arith.addf %logistic3A_169, %logistic3A_167 : vector<8x128xf32>
    %logistic3A_171 = arith.divf %logistic3A_169, %logistic3A_170 : vector<8x128xf32>
    %slice3A_172 = vector.extract_strided_slice %add3A_143 {offsets = [0, 256], sizes = [8, 128], strides = [1, 1]} : vector<8x384xf32> to vector<8x128xf32>
    %slice3A_173 = vector.extract_strided_slice %add3A_153 {offsets = [0, 256], sizes = [8, 128], strides = [1, 1]} : vector<8x384xf32> to vector<8x128xf32>
    %mul3A_174 = arith.mulf %logistic3A_162, %slice3A_173 : vector<8x128xf32>
    %add3A_175 = arith.addf %slice3A_172, %mul3A_174 : vector<8x128xf32>
    %tanh3A_176 = math.tanh %add3A_175 : vector<8x128xf32>
    %sub3A_177 = arith.constant 1.000000e+00 : f32
    %sub3A_178 = vector.broadcast %sub3A_177 : f32 to vector<8x128xf32>
    %sub3A_179 = arith.subf %sub3A_178, %logistic3A_171 : vector<8x128xf32>
    %mul3A_180 = arith.mulf %sub3A_179, %tanh3A_176 : vector<8x128xf32>
    %mul3A_181 = arith.mulf %logistic3A_171, %get3A_13 : vector<8x128xf32>
    %add3A_182 = arith.addf %mul3A_180, %mul3A_181 : vector<8x128xf32>
    %get3A_183 = arith.constant 0 : index
    %get3A_184 = arith.constant 0 : index
    %get3A_185 = vector.load %arg1[%get3A_183, %get3A_184] : memref<256x128xf32, #tpu.memory_space<vmem>>, vector<256x128xf32>
    %dot_general3A_186 = arith.constant dense<0.000000e+00> : vector<8x256xf32>
    %dot_general3A_187 = tpu.matmul %add3A_182, %get3A_185, %dot_general3A_186 {dimension_numbers = #tpu.dot_dimension_numbers<[1], [1], [0], [0], [0, 0, 1, 0], [], []>, transpose_lhs_hint = false} : vector<8x128xf32>, vector<256x128xf32>, vector<8x256xf32> -> vector<8x256xf32>
    %get3A_188 = arith.constant 0 : index
    %get3A_189 = arith.constant 0 : index
    %get3A_190 = vector.load %arg2[%get3A_188, %get3A_189] : memref<1x256xf32, #tpu.memory_space<vmem>>, vector<1x256xf32>
    %add3A_191 = vector.broadcast %get3A_190 : vector<1x256xf32> to vector<8x256xf32>
    %add3A_192 = arith.addf %dot_general3A_187, %add3A_191 : vector<8x256xf32>
    %mul3A_193 = arith.constant 5.000000e-01 : f32
    %mul3A_194 = vector.broadcast %mul3A_193 : f32 to vector<8x256xf32>
    %mul3A_195 = arith.mulf %mul3A_194, %add3A_192 : vector<8x256xf32>
    %mul3A_196 = arith.constant 0.707106769 : f32
    %mul3A_197 = vector.broadcast %mul3A_196 : f32 to vector<8x256xf32>
    %mul3A_198 = arith.mulf %add3A_192, %mul3A_197 : vector<8x256xf32>
    %erf3A_199 = math.erf %mul3A_198 : vector<8x256xf32>
    %add3A_200 = arith.constant 1.000000e+00 : f32
    %add3A_201 = vector.broadcast %add3A_200 : f32 to vector<8x256xf32>
    %add3A_202 = arith.addf %add3A_201, %erf3A_199 : vector<8x256xf32>
    %mul3A_203 = arith.mulf %mul3A_195, %add3A_202 : vector<8x256xf32>
    %get3A_204 = arith.constant 0 : index
    %get3A_205 = arith.constant 0 : index
    %get3A_206 = vector.load %arg3[%get3A_204, %get3A_205] : memref<128x256xf32, #tpu.memory_space<vmem>>, vector<128x256xf32>
    %dot_general3A_207 = arith.constant dense<0.000000e+00> : vector<8x128xf32>
    %dot_general3A_208 = tpu.matmul %mul3A_203, %get3A_206, %dot_general3A_207 {dimension_numbers = #tpu.dot_dimension_numbers<[1], [1], [0], [0], [0, 0, 1, 0], [], []>, transpose_lhs_hint = false} : vector<8x256xf32>, vector<128x256xf32>, vector<8x128xf32> -> vector<8x128xf32>
    %get3A_209 = arith.constant 0 : index
    %get3A_210 = arith.constant 0 : index
    %get3A_211 = vector.load %arg4[%get3A_209, %get3A_210] : memref<1x128xf32, #tpu.memory_space<vmem>>, vector<1x128xf32>
    %add3A_212 = vector.broadcast %get3A_211 : vector<1x128xf32> to vector<8x128xf32>
    %add3A_213 = arith.addf %dot_general3A_208, %add3A_212 : vector<8x128xf32>
    %mul3A_214 = arith.mulf %get3A_23, %add3A_213 : vector<8x128xf32>
    %get3A_215 = arith.constant 0 : index
    %get3A_216 = arith.constant 0 : index
    %get3A_217 = vector.load %arg5[%get3A_215, %get3A_216] : memref<384x128xf32, #tpu.memory_space<vmem>>, vector<384x128xf32>
    %dot_general3A_218 = arith.constant dense<0.000000e+00> : vector<8x384xf32>
    %dot_general3A_219 = tpu.matmul %mul3A_214, %get3A_217, %dot_general3A_218 {dimension_numbers = #tpu.dot_dimension_numbers<[1], [1], [0], [0], [0, 0, 1, 0], [], []>, transpose_lhs_hint = false} : vector<8x128xf32>, vector<384x128xf32>, vector<8x384xf32> -> vector<8x384xf32>
    %get3A_220 = arith.constant 0 : index
    %get3A_221 = arith.constant 0 : index
    %get3A_222 = vector.load %arg7[%get3A_220, %get3A_221] : memref<1x384xf32, #tpu.memory_space<vmem>>, vector<1x384xf32>
    %add3A_223 = vector.broadcast %get3A_222 : vector<1x384xf32> to vector<8x384xf32>
    %add3A_224 = arith.addf %dot_general3A_219, %add3A_223 : vector<8x384xf32>
    %get3A_225 = arith.constant 0 : index
    %get3A_226 = arith.constant 0 : index
    %get3A_227 = vector.load %arg6[%get3A_225, %get3A_226] : memref<384x128xf32, #tpu.memory_space<vmem>>, vector<384x128xf32>
    %dot_general3A_228 = arith.constant dense<0.000000e+00> : vector<8x384xf32>
    %dot_general3A_229 = tpu.matmul %add3A_101, %get3A_227, %dot_general3A_228 {dimension_numbers = #tpu.dot_dimension_numbers<[1], [1], [0], [0], [0, 0, 1, 0], [], []>, transpose_lhs_hint = false} : vector<8x128xf32>, vector<384x128xf32>, vector<8x384xf32> -> vector<8x384xf32>
    %get3A_230 = arith.constant 0 : index
    %get3A_231 = arith.constant 0 : index
    %get3A_232 = vector.load %arg8[%get3A_230, %get3A_231] : memref<1x384xf32, #tpu.memory_space<vmem>>, vector<1x384xf32>
    %add3A_233 = vector.broadcast %get3A_232 : vector<1x384xf32> to vector<8x384xf32>
    %add3A_234 = arith.addf %dot_general3A_229, %add3A_233 : vector<8x384xf32>
    %slice3A_235 = vector.extract_strided_slice %add3A_224 {offsets = [0, 0], sizes = [8, 128], strides = [1, 1]} : vector<8x384xf32> to vector<8x128xf32>
    %slice3A_236 = vector.extract_strided_slice %add3A_234 {offsets = [0, 0], sizes = [8, 128], strides = [1, 1]} : vector<8x384xf32> to vector<8x128xf32>
    %add3A_237 = arith.addf %slice3A_235, %slice3A_236 : vector<8x128xf32>
    %logistic3A_238 = arith.negf %add3A_237 : vector<8x128xf32>
    %logistic3A_239 = math.exp %logistic3A_238 : vector<8x128xf32>
    %logistic3A_240 = arith.constant 1.000000e+00 : f32
    %logistic3A_241 = vector.broadcast %logistic3A_240 : f32 to vector<8x128xf32>
    %logistic3A_242 = arith.addf %logistic3A_241, %logistic3A_239 : vector<8x128xf32>
    %logistic3A_243 = arith.divf %logistic3A_241, %logistic3A_242 : vector<8x128xf32>
    %slice3A_244 = vector.extract_strided_slice %add3A_224 {offsets = [0, 128], sizes = [8, 128], strides = [1, 1]} : vector<8x384xf32> to vector<8x128xf32>
    %slice3A_245 = vector.extract_strided_slice %add3A_234 {offsets = [0, 128], sizes = [8, 128], strides = [1, 1]} : vector<8x384xf32> to vector<8x128xf32>
    %add3A_246 = arith.addf %slice3A_244, %slice3A_245 : vector<8x128xf32>
    %logistic3A_247 = arith.negf %add3A_246 : vector<8x128xf32>
    %logistic3A_248 = math.exp %logistic3A_247 : vector<8x128xf32>
    %logistic3A_249 = arith.constant 1.000000e+00 : f32
    %logistic3A_250 = vector.broadcast %logistic3A_249 : f32 to vector<8x128xf32>
    %logistic3A_251 = arith.addf %logistic3A_250, %logistic3A_248 : vector<8x128xf32>
    %logistic3A_252 = arith.divf %logistic3A_250, %logistic3A_251 : vector<8x128xf32>
    %slice3A_253 = vector.extract_strided_slice %add3A_224 {offsets = [0, 256], sizes = [8, 128], strides = [1, 1]} : vector<8x384xf32> to vector<8x128xf32>
    %slice3A_254 = vector.extract_strided_slice %add3A_234 {offsets = [0, 256], sizes = [8, 128], strides = [1, 1]} : vector<8x384xf32> to vector<8x128xf32>
    %mul3A_255 = arith.mulf %logistic3A_243, %slice3A_254 : vector<8x128xf32>
    %add3A_256 = arith.addf %slice3A_253, %mul3A_255 : vector<8x128xf32>
    %tanh3A_257 = math.tanh %add3A_256 : vector<8x128xf32>
    %sub3A_258 = arith.constant 1.000000e+00 : f32
    %sub3A_259 = vector.broadcast %sub3A_258 : f32 to vector<8x128xf32>
    %sub3A_260 = arith.subf %sub3A_259, %logistic3A_252 : vector<8x128xf32>
    %mul3A_261 = arith.mulf %sub3A_260, %tanh3A_257 : vector<8x128xf32>
    %mul3A_262 = arith.mulf %logistic3A_252, %add3A_101 : vector<8x128xf32>
    %add3A_263 = arith.addf %mul3A_261, %mul3A_262 : vector<8x128xf32>
    %concatenate3A = tpu.concatenate %add3A_263, %get3A_8 in 1 : vector<8x128xf32>, vector<8x128xf32> -> vector<8x256xf32>
    %get3A_264 = arith.constant 0 : index
    %get3A_265 = arith.constant 0 : index
    %get3A_266 = vector.load %arg9[%get3A_264, %get3A_265] : memref<128x256xf32, #tpu.memory_space<vmem>>, vector<128x256xf32>
    %dot_general3A_267 = arith.constant dense<0.000000e+00> : vector<8x128xf32>
    %dot_general3A_268 = tpu.matmul %concatenate3A, %get3A_266, %dot_general3A_267 {dimension_numbers = #tpu.dot_dimension_numbers<[1], [1], [0], [0], [0, 0, 1, 0], [], []>, transpose_lhs_hint = false} : vector<8x256xf32>, vector<128x256xf32>, vector<8x128xf32> -> vector<8x128xf32>
    %get3A_269 = arith.constant 0 : index
    %get3A_270 = arith.constant 0 : index
    %get3A_271 = vector.load %arg10[%get3A_269, %get3A_270] : memref<1x128xf32, #tpu.memory_space<vmem>>, vector<1x128xf32>
    %add3A_272 = vector.broadcast %get3A_271 : vector<1x128xf32> to vector<8x128xf32>
    %add3A_273 = arith.addf %dot_general3A_268, %add3A_272 : vector<8x128xf32>
    %mul3A_274 = arith.constant 5.000000e-01 : f32
    %mul3A_275 = vector.broadcast %mul3A_274 : f32 to vector<8x128xf32>
    %mul3A_276 = arith.mulf %mul3A_275, %add3A_273 : vector<8x128xf32>
    %mul3A_277 = arith.constant 0.707106769 : f32
    %mul3A_278 = vector.broadcast %mul3A_277 : f32 to vector<8x128xf32>
    %mul3A_279 = arith.mulf %add3A_273, %mul3A_278 : vector<8x128xf32>
    %erf3A_280 = math.erf %mul3A_279 : vector<8x128xf32>
    %add3A_281 = arith.constant 1.000000e+00 : f32
    %add3A_282 = vector.broadcast %add3A_281 : f32 to vector<8x128xf32>
    %add3A_283 = arith.addf %add3A_282, %erf3A_280 : vector<8x128xf32>
    %mul3A_284 = arith.mulf %mul3A_276, %add3A_283 : vector<8x128xf32>
    %get3A_285 = arith.constant 0 : index
    %get3A_286 = arith.constant 0 : index
    %get3A_287 = vector.load %arg11[%get3A_285, %get3A_286] : memref<10000x128xf32, #tpu.memory_space<vmem>>, vector<10000x128xf32>
    %dot_general3A_288 = arith.constant dense<0.000000e+00> : vector<8x10000xf32>
    %dot_general3A_289 = tpu.matmul %mul3A_284, %get3A_287, %dot_general3A_288 {dimension_numbers = #tpu.dot_dimension_numbers<[1], [1], [0], [0], [0, 0, 1, 0], [], []>, transpose_lhs_hint = false} : vector<8x128xf32>, vector<10000x128xf32>, vector<8x10000xf32> -> vector<8x10000xf32>
    %get3A_290 = arith.constant 0 : index
    %get3A_291 = arith.constant 0 : index
    %get3A_292 = vector.load %arg12[%get3A_290, %get3A_291] : memref<1x10000xf32, #tpu.memory_space<vmem>>, vector<1x10000xf32>
    %add3A_293 = vector.broadcast %get3A_292 : vector<1x10000xf32> to vector<8x10000xf32>
    %add3A_294 = arith.addf %dot_general3A_289, %add3A_293 : vector<8x10000xf32>
    %swap3A = arith.constant 0 : index
    %swap3A_295 = arith.constant 0 : index
    %swap3A_296 = vector.load %arg13[%swap3A, %swap3A_295] : memref<8x10000xf32, #tpu.memory_space<vmem>>, vector<8x10000xf32>
    tpu.vector_store %arg13[%swap3A, %swap3A_295], %add3A_294 {strides = array<i32>} : memref<8x10000xf32, #tpu.memory_space<vmem>>, vector<8x10000xf32>,
    return
  }
}

</mosaic_0001>

<sc_bundles>
// kernel: kernel.4.cloned.1.call-start
scs
__scs_entry_jumppad:
0x0: {  	(pc) =	sbr.rel $0x88, $3  }
0x1: {  	(tag) =	ssettag $0x0;
	lr =	simm.s32 $0x1  }
0x2: {  	[smem:$0x3F91] =	sst lr;
	_ =	strace $0xD0000000  }
0x3: {  	_ = 	snop  }
0x4: {  	_ = 	snop  }
0x5: {  	_ = 	snop  }
0x6: {  	_ = 	snop  }
0x7: {  	_ = 	snop  }
__scs_overlays_trampoline_lowered:
0x8: {  	[smem:$0x3FA0] =	sst s0  }
0x9: {  	[smem:$0x3FA1] =	sst s1  }
0xa: {  	[smem:$0x3FA2] =	sst s2  }
0xb: {  	[smem:$0x3FA3] =	sst s3  }
0xc: {  	[smem:$0x3FA4] =	sst s4  }
0xd: {  	[smem:$0x3FA5] =	sst s5  }
0xe: {  	[smem:$0x3FA6] =	sst s6  }
0xf: {  	[smem:$0x3FA7] =	sst s7  }
0x10: {  	[smem:$0x3FA8] =	sst s8  }
0x11: {  	[smem:$0x3FA9] =	sst s9;
	s0 =	simm.s32 @!p0 $0x0  }
0x12: {  	s1 =	sld [smem:$0x3F8F];
	s0 =	simm.s32 @p0 $0x1  }
0x13: {  	[smem:$0x3FAA] =	sst s0;
	s0 =	simm.s32 @!p1 $0x0  }
0x14: {  	s2 =	sld [smem:$0x3F8E];
	s0 =	simm.s32 @p1 $0x1  }
0x15: {  	[smem:$0x3FAB] =	sst s0;
	s0 =	simm.s32 @!p2 $0x0  }
0x16: {  	s3 =	sld [smem:$0x3FDB];
	s0 =	simm.s32 @p2 $0x1  }
0x17: {  	s4 =	simm.s32 $0x1BF5;
	[smem:$0x3FAD] =	sst s0  }
0x18: {  	s0 =	sld [smem:$0x3F90];
	_ =	swait.ge [sflag:s4], $0x0  }
0x19: {  	s7 =	sld [smem:$0x3F91]  }
0x1a: {  	s8 =	sadd.s32 $0xFFFFE003, lr  }
0x1b: {  	s9 =	sadd.s32 $0xFFFFFEF7, lr;
	s5 =	simm.s32 $0xFFFFFFFF;
	p2 =	slt.u32 s8, $0xFFFFF086  }
0x1c: {  	p1 =	slt.u32 s9, $0xF7A;
	s5 =	simm.s32 @!p2 $0x0  }
0x1d: {  	s5 =	simm.s32 @p1 $0x1;
	p0 =	seq.s32 s7, s2  }
0x1e: {  	s7 =	smul.u32 @!p0 $0xF7A, s2;
	p2 =	seq.s32 @!p0 s5, $0x0  }
0x1f: {  	s9 =	smul.u32 $0xF7A, s1;
	s8 =	simm.s32 @!p0 $0x1BF5;
	p2 =	por !p2, p0  }
0x20: {  	[sflag:s8] =	ssyncset.s32 @!p0 $0xFFFFF086;
	s6 =	sadd.s32 @!p0 s3, s7;
	s7 =	simm.s32 @!p0 $0x108  }
0x21: {  	s3 =	sadd.s32 s3, s9;
	s6 =	sadd.s32 @!p0 $0x88, s6;
	s7 =	simm.s32 @p2 $0x1082  }
0x22: {  	[simem:s7], [sflag:s8] =	dma.local @!p0 [hbm:s6], $0xF7A  }
0x23: {  	s9 =	sor.u32 $0xD0000000, s2;
	s6 =	simm.s32 $0x108;
	_ =	swait.ge @!p0 [sflag:s8], $0x0  }
0x24: {  	s3 =	sadd.s32 $0x88, s3;
	s6 =	simm.s32 @!p1 $0x1082;
	[sflag:s4] =	ssyncset.s32 $0xFFFFF086  }
0x25: {  	[simem:s6], [sflag:s4] =	dma.local [hbm:s3], $0xF7A  }
0x26: {  	[smem:$0x3F91] =	sst s1;
	(tag) =	ssettag s2;
	_ =	strace s9  }
0x27: {  	s1 =	sld [smem:$0x3FA1]  }
0x28: {  	s2 =	sld [smem:$0x3FA2]  }
0x29: {  	s4 =	sld [smem:$0x3FA4]  }
0x2a: {  	p0 =	seq.s32 s5, $0x0;
	s5 =	sld [smem:$0x3FA5]  }
0x2b: {  	s6 =	sld [smem:$0x3FA6]  }
0x2c: {  	s7 =	sld [smem:$0x3FA7]  }
0x2d: {  	s3 =	simm.s32 $0x108;
	s8 =	sld [smem:$0x3FA8]  }
0x2e: {  	s3 =	simm.s32 @!p0 $0x1082;
	s9 =	sld [smem:$0x3FA9]  }
0x2f: {  	lr =	sadd.s32 s0, s3;
	s0 =	sld [smem:$0x3FA0]  }
0x30: {  	s3 =	sld [smem:$0x3FA3]  }
0x31: {  	[smem:$0x3FAC] =	sst s10  }
0x32: {  	s10 =	sld [smem:$0x3FAA];
	_ =	sdelay $0x3  }
0x33: {  	p0 =	seq.s32 s10, $0x1;
	s10 =	sld [smem:$0x3FAC];
	_ =	sdelay $0x3  }
0x34: {  	[smem:$0x3FAC] =	sst s10  }
0x35: {  	s10 =	sld [smem:$0x3FAB];
	_ =	sdelay $0x3  }
0x36: {  	p1 =	seq.s32 s10, $0x1;
	s10 =	sld [smem:$0x3FAC];
	_ =	sdelay $0x3  }
0x37: {  	[smem:$0x3FAC] =	sst s10  }
0x38: {  	s10 =	sld [smem:$0x3FAD]  }
0x39: {  	_ = 	snop;
	(pc) =	sbr.ind lr, $3  }
0x3a: {  	_ = 	snop  }
0x3b: {  	_ = 	snop  }
0x3c: {  	p2 =	seq.s32 s10, $0x1;
	s10 =	sld [smem:$0x3FAC]  }
0x3d: {  	_ =	shalt  }
0x3e: {  	_ =	shalt  }
0x3f: {  	_ =	shalt  }
0x40: {  	_ =	shalt  }
0x41: {  	_ =	shalt  }
0x42: {  	_ =	shalt  }
0x43: {  	_ =	shalt  }
0x44: {  	_ =	shalt  }
0x45: {  	_ =	shalt  }
0x46: {  	_ =	shalt  }
0x47: {  	_ =	shalt  }
0x48: {  	_ =	shalt  }
0x49: {  	_ =	shalt  }
0x4a: {  	_ =	shalt  }
0x4b: {  	_ =	shalt  }
0x4c: {  	_ =	shalt  }
0x4d: {  	_ =	shalt  }
0x4e: {  	_ =	shalt  }
0x4f: {  	_ =	shalt  }
0x50: {  	_ =	shalt  }
0x51: {  	_ =	shalt  }
0x52: {  	_ =	shalt  }
0x53: {  	_ =	shalt  }
0x54: {  	_ =	shalt  }
0x55: {  	_ =	shalt  }
0x56: {  	_ =	shalt  }
0x57: {  	_ =	shalt  }
0x58: {  	_ =	shalt  }
0x59: {  	_ =	shalt  }
0x5a: {  	_ =	shalt  }
0x5b: {  	_ =	shalt  }
0x5c: {  	_ =	shalt  }
0x5d: {  	_ =	shalt  }
0x5e: {  	_ =	shalt  }
0x5f: {  	_ =	shalt  }
0x60: {  	_ =	shalt  }
0x61: {  	_ =	shalt  }
0x62: {  	_ =	shalt  }
0x63: {  	_ =	shalt  }
0x64: {  	_ =	shalt  }
0x65: {  	_ =	shalt  }
0x66: {  	_ =	shalt  }
0x67: {  	_ =	shalt  }
0x68: {  	_ =	shalt  }
0x69: {  	_ =	shalt  }
0x6a: {  	_ =	shalt  }
0x6b: {  	_ =	shalt  }
0x6c: {  	_ =	shalt  }
0x6d: {  	_ =	shalt  }
0x6e: {  	_ =	shalt  }
0x6f: {  	_ =	shalt  }
0x70: {  	_ =	shalt  }
0x71: {  	_ =	shalt  }
0x72: {  	_ =	shalt  }
0x73: {  	_ =	shalt  }
0x74: {  	_ =	shalt  }
0x75: {  	_ =	shalt  }
0x76: {  	_ =	shalt  }
0x77: {  	_ =	shalt  }
0x78: {  	_ =	shalt  }
0x79: {  	_ =	shalt  }
0x7a: {  	_ =	shalt  }
0x7b: {  	_ =	shalt  }
0x7c: {  	_ =	shalt  }
0x7d: {  	_ =	shalt  }
0x7e: {  	_ =	shalt  }
0x7f: {  	_ =	shalt  }
0x80: {  	_ =	shalt  }
0x81: {  	_ =	shalt  }
0x82: {  	_ =	shalt  }
0x83: {  	_ =	shalt  }
0x84: {  	_ =	shalt  }
0x85: {  	_ =	shalt  }
0x86: {  	_ =	shalt  }
0x87: {  	_ =	shalt  }
.Lfunc_end0:
.L_simem_size_0:
called_computation_lowered:
.L_overlay_start_0:
0x88: {  	s2 =	sld [smem:$0x3FD9]  }
0x89: {  	s3 =	sld [smem:$0x3FFE];
	_ =	sdelay $0x1  }
0x8a: {  	s1 =	srdreg.scid  }
0x8b: {  	s0 =	sand.u32 $0x1, s1  }
0x8c: {  	s17 =	sshll.u32 s0, $0xA;
	s2 =	sadd.s32 s3, s2  }
0x8d: {  	s2 =	sadd.s32 s2, s17  }
0x8e: {  	[smem:$0x3FB8] =	sst s2  }
0x8f: {  	_ = 	snop  }
0x90: {  	s2 =	sld [smem:$0x3FC8]  }
0x91: {  	s18 =	sld [smem:$0x3FC7]  }
0x92: {  	s4 =	sld [smem:$0x3FC6]  }
0x93: {  	s5 =	sld [smem:$0x3FD0];
	(tm) =	ssettm $0x1  }
0x94: {  	s6 =	sld [smem:$0x3FFB];
	_ =	sdelay $0x3  }
0x95: {  	_ =	strace s6  }
0x96: {  	s6 =	sld [smem:$0x3FFC];
	_ =	sdelay $0x3  }
0x97: {  	_ =	strace s6  }
0x98: {  	s6 =	sld [smem:$0x3FFD];
	_ =	sdelay $0x3  }
0x99: {  	_ =	strace s6  }
0x9a: {  	_ =	strace $0x8FFFFFFF  }
0x9b: {  	s19 =	sld [smem:$0x3FDB];
	_ =	sdelay $0x1  }
0x9c: {  	s7 =	simm.s32 $_scs_section_size  }
0x9d: {  	s8 =	simm.s32 $_size__tile_overlayer_lowered;
	s9 =	simm.s32 $_tile_overlayer_lowered  }
0x9e: {  	s22 =	simm.s32 $0x1BFF;
	s21 =	sshll.u32 s9, $0x1;
	s6 =	sadd.s32 s7, s19  }
0x9f: {  	s10 =	simm.s32 $0x0;
	s20 =	sshll.u32 s8, $0x1;
	s8 =	sadd.s32 s21, s6  }
0xa0: {  	[timem:s10], [sflag:s22] =	dma.local [hbm:s8], s20  }
0xa1: {  	_ =	swait.ge [sflag:s22], s20  }
0xa2: {  	s7 =	ssub.s32 $0x0, s20;
	[sflag:s22] =	ssyncset.done $0x0  }
0xa3: {  	[sflag:s22] =	ssyncadd.s32 s7;
	_ =	sdelay $0x1  }
0xa4: {  	s23 =	simm.s32 $0x1B8B  }
0xa5: {  	_ =	swait.ge [sflag:s23], $0x1  }
0xa6: {  	[sflag:s23] =	ssyncset.done $0x0  }
0xa7: {  	s25 =	simm.s32 $0x1B8E;
	s24 =	sld [smem:$0x3FFE];
	[sflag:s23] =	ssyncadd.s32 $0xFFFFFFFF  }
0xa8: {  	s26 =	simm.s32 $execute0_lowered;
	[smem:$0x3FD2] =	sst s25  }
0xa9: {  	s8 =	sshll.u32 s26, $0x1;
	_ =	strace $0x80000046;
	[dreg:$0x1] =	wrdreg $0xFFFFFFFF  }
0xaa: {  	s28 =	simm.s32 $_size_execute0_lowered;
	s6 =	sadd.s32 s6, s8;
	[dreg:$0x0] =	wrdreg $0x0  }
0xab: {  	s8 =	sshll.u32 s28, $0x1;
	[dreg:$0x2] =	wrdreg s6  }
0xac: {  	[dreg:$0x3] =	wrdreg s8  }
0xad: {  	[dreg:$0x4] =	wrdreg $0xC0  }
0xae: {  	_ =	task [dreg:s10], $0x5FFFF  }
0xaf: {  	[dreg:$0x1] =	wrdreg $0xFFFFFFFF  }
0xb0: {  	[dreg:$0x0] =	wrdreg $0x60  }
0xb1: {  	[dreg:$0x2] =	wrdreg s5  }
0xb2: {  	[dreg:$0x3] =	wrdreg s2  }
0xb3: {  	[dreg:$0x4] =	wrdreg s18  }
0xb4: {  	[dreg:$0x5] =	wrdreg s4  }
0xb5: {  	[dreg:$0x6] =	wrdreg s24  }
0xb6: {  	[dreg:$0x7] =	wrdreg $0x9  }
0xb7: {  	_ =	task.clear_ibuf [dreg:s10], $0x8FFFF;
	_ =	strace $0x90000046  }
0xb8: {  	s29 =	simm.s32 $0x9;
	_ =	strace $0x80000048  }
0xb9: {  	_ =	swait.ge [sflag:s29], $0x1  }
0xba: {  	[sflag:s29] =	ssyncadd.s32 $0xFFFFFFFF  }
0xbb: {  	_ =	strace $0x90000048  }
0xbc: {  	_ =	sfence  }
0xbd: {  	s30 =	sld [smem:$0x0];
	_ =	sdelay $0x2  }
0xbe: {  	s31 =	sshll.u32 s1, $0xD;
	s1 =	sshrl.u32 s1, $0x2  }
0xbf: {  	s3 =	sand.u32 $0x4000, s31;
	s1 =	sadd.s32 s1, s30  }
0xc0: {  	s0 =	sor.u32 s3, s0;
	s1 =	sshll.u32 s1, $0x11  }
0xc1: {  	s0 =	sor.u32 s1, s0  }
0xc2: {  	s0 =	sadd.s32 $0x8F2B, s0  }
0xc3: {  	[sflag:s0] =	ssyncadd.remote.s32 $0x1  }
0xc4: {  	_ =	sfence.sel $0xFFFF  }
0xc5: {  	[dreg:$0x0] =	wrdreg $0xFFFFFFFF;
	(pc) =	sbr.abs _section_cstart, $3  }
0xc6: {  	[dreg:$0x1] =	wrdreg $0xFFFFFFFF  }
0xc7: {  	_ =	task.clear_ibuf [dreg:s10], $0x2FFFF;
	_ =	strace $0x9FFFFFFF  }
0xc8: {  	(tm) =	ssettm $0x7FFFFFFF  }
0xc9: {  	_ =	shalt  }
tec
execute0_lowered:
.L_overlay_start_1:
0x0: {  	(tag) =	ssettag $0x1  }
0x1: {  	s8 =	rddreg [dreg:$0x0];
	s3 =	stileid.u32  }
0x2: {  	s1 =	rddreg [dreg:$0x1];
	p0 =	sgt.u32 s3, $0x3  }
.Ltmp0:
0x3: {  	s2 =	rddreg [dreg:$0x2];
	(pc) =	sbr.rel @p0 .LBB2_7-.Ltmp0, $4  }
0x4: {  	s4 =	rddreg [dreg:$0x3]  }
0x5: {  	s7 =	rddreg [dreg:$0x4];
	s5 =	simm.s32 $0x0  }
0x6: {  	[smem:$0x7FF] =	sst s5  }
0x7: {  	s0 =	rddreg [dreg:$0x5];
	_ =	strace $0x80000047  }
0x8: {  	vm1 =	vcmask $0x2F20;
	vm2 =	vcmask $0xF00  }
0x9: {  	vm0 =	vmmov $0xff;
	vm3 =	vcmask $0x700;
	vm4 =	vcmask $0xB08  }
0xa: {  	s6 =	srdreg.scid;
	vm5 =	vcmask $0x300;
	v0 =	vlaneseq.u32;
	vm6 =	vmmov $0x7  }
0xb: {  	s31 =	sshll.u32 s3, $0x1;
	s13 =	simm.s32 $0x1;
	s14 =	simm.s32 $0x10;
	v2 =	vimm.f32 $0.0e+00;
	vm1 =	vmor vm2, vm1;
	vm2 =	vcmask $0x1710  }
0xc: {  	s15 =	simm.s32 $0x2880;
	s16 =	simm.s32 $0x2980;
	s17 =	simm.s32 $0x3;
	vm2 =	vmor vm3, vm2;
	vm3 =	vmor vm5, vm4;
	vm4 =	vcmask $0x1310  }
0xd: {  	s18 =	simm.s32 $0x80;
	s19 =	simm.s32 $0x400;
	s9 =	sand.u32 $0x1, s6;
	v1 =	vor.u32 $0x2700, v0;
	vm3 =	vmor vm3, vm4;
	vm4 =	vcmask $0x1B18  }
0xe: {  	s20 =	simm.s32 $0x4;
	s6 =	sor.u32 s9, s31;
	s9 =	ssub.s32 $0x2, s9;
	vm5 =	vcmask $0x2720;
	vm3 =	vmor vm3, vm4;
	vm4 =	vcmask $0x2320  }
0xf: {  	s21 =	simm.s32 $0x0;
	s10 =	sshll.u32 s6, $0x4;
	s11 =	sshrl.u32 s9, $0x1;
	vm2 =	vmor vm2, vm5;
	vm3 =	vmor vm3, vm4;
	vm4 =	vcmask $0x2B28  }
0x10: {  	s12 =	smul.u32 $0x4E2, s6;
	vm5 =	vcmask $0x3730;
	s7 =	sadd.s32 s10, s7;
	s9 =	ssub.s32 s9, s11;
	vm3 =	vmor vm3, vm4;
	vm4 =	vcmask $0x3330  }
0x11: {  	s10 =	simm.s32 $0x2780;
	s11 =	simm.s32 $0x2800;
	vm2 =	vmor vm2, vm5;
	s7 =	sadd.s32 $0x2400, s7;
	vm3 =	vmor vm3, vm4;
	vm4 =	vcmask $0x3B38  }
0x12: {  	vm5 =	vmmov $0x3;
	s8 =	sadd.s32 s8, s12;
	s9 =	smax.u32 s9, $0x1;
	s12 =	simm.s32 $0x2;
	vm3 =	vmor vm3, vm4;
	vm4 =	vmmov $0x1  }
.LBB2_2:
0x13: {  	[tilespmem:s5], [sflag:$0x1] =	stream.linear.gather [hbm4b:s8+s5], $0x2710, $0x38;
	[tilespmem:$0x3180] =	vst v63  }
0x14: {  	_ = 	snop  }
0x15: {  	[tilespmem:s10], [sflag:$0x2] =	stream.linear.gather [hbm4b:s1+s5], $0x8, $0x38;
	[tilespmem:$0x3180] =	vst v63  }
0x16: {  	_ = 	snop  }
0x17: {  	[tilespmem:s11], [sflag:$0x2] =	stream.linear.gather [hbm4b:s2+s5], $0x8, $0x38;
	[tilespmem:$0x3180] =	vst v63  }
0x18: {  	_ =	swait.ge [sflag:s12], $0x8  }
0x19: {  	[sflag:s12] =	ssyncset.done $0x0  }
0x1a: {  	[sflag:s12] =	ssyncadd.s32 $0xFFFFFFF8  }
0x1b: {  	_ =	swait.ge [sflag:s12], $0x8  }
0x1c: {  	[sflag:s12] =	ssyncset.done $0x0  }
0x1d: {  	[sflag:s12] =	ssyncadd.s32 $0xFFFFFFF8  }
0x1e: {  	v3 =	vld [tilespmem:$0x2780];
	_ =	sdelay $0x4  }
0x1f: {  	[tilespmem:$0x2900] =	vst v3  }
0x20: {  	[tilespmem:$0x2910] =	vst v3  }
0x21: {  	v3 =	vld [tilespmem:s6+$0x2900];
	_ =	sdelay $0x4  }
0x22: {  	[tilespmem:$0x2900] =	vst v3  }
0x23: {  	[tilespmem:$0x2910] =	vst v3  }
0x24: {  	v4 =	vld [tilespmem:$0x2908];
	_ =	sdelay $0x4  }
0x25: {  	v3 =	vsel vm0, v3, v4  }
0x26: {  	[tilespmem:$0x2900] =	vst v3  }
0x27: {  	[tilespmem:$0x2910] =	vst v3  }
0x28: {  	v4 =	vld [tilespmem:$0x290C];
	_ =	sdelay $0x4  }
0x29: {  	v3 =	vsel vm1, v3, v4  }
0x2a: {  	[tilespmem:$0x2900] =	vst v3  }
0x2b: {  	[tilespmem:$0x2910] =	vst v3  }
0x2c: {  	v4 =	vld [tilespmem:$0x290E];
	_ =	sdelay $0x2  }
0x2d: {  	v5 =	vld [tilespmem:$0x2800];
	_ =	sdelay $0x1  }
0x2e: {  	v4 =	vsel vm2, v3, v4  }
0x2f: {  	[tilespmem:$0x2900] =	vst v4  }
0x30: {  	[tilespmem:$0x2910] =	vst v4  }
0x31: {  	v6 =	vld [tilespmem:$0x290F];
	[tilespmem:$0x2900] =	vst v5  }
0x32: {  	[tilespmem:$0x2910] =	vst v5  }
0x33: {  	v3 =	vld [tilespmem:s6+$0x2900];
	_ =	sdelay $0x4  }
0x34: {  	[tilespmem:$0x2900] =	vst v3  }
0x35: {  	[tilespmem:$0x2910] =	vst v3  }
0x36: {  	v5 =	vld [tilespmem:$0x2908];
	_ =	sdelay $0x4  }
0x37: {  	v3 =	vsel vm0, v3, v5  }
0x38: {  	[tilespmem:$0x2900] =	vst v3  }
0x39: {  	[tilespmem:$0x2910] =	vst v3  }
0x3a: {  	v5 =	vld [tilespmem:$0x290C];
	_ =	sdelay $0x4  }
0x3b: {  	v3 =	vsel vm1, v3, v5  }
0x3c: {  	[tilespmem:$0x2900] =	vst v3  }
0x3d: {  	[tilespmem:$0x2910] =	vst v3  }
0x3e: {  	v5 =	vld [tilespmem:$0x290E];
	_ =	sdelay $0x4  }
0x3f: {  	v3 =	vsel vm2, v3, v5  }
0x40: {  	[tilespmem:$0x2900] =	vst v3  }
0x41: {  	[tilespmem:$0x2910] =	vst v3  }
0x42: {  	v3 =	vld [tilespmem:$0x290F];
	_ =	swait.ge [sflag:s13], $0x2710  }
0x43: {  	[sflag:s13] =	ssyncset.done $0x0  }
0x44: {  	s24 =	simm.s32 $0x40;
	[sflag:s13] =	ssyncadd.s32 $0xFFFFD8F0  }
0x45: {  	v5 =	vld [tilespmem:s24+$0xFFFFFFC0];
	_ =	sdelay $0x1  }
0x46: {  	v7 =	vld [tilespmem:s24+$0xFFFFFFD0];
	_ =	sdelay $0x1  }
0x47: {  	s22 =	simm.s32 $0x0;
	v4 =	vsel vm3, v4, v6;
	v6 =	vld [tilespmem:s24+$0xFFFFFFE0]  }
0x48: {  	v8 =	vor.u32 s22, v0;
	vm7 =	veq.s32 v5, v4  }
0x49: {  	s28 =	simm.s32 $0x10;
	v9 =	vld [tilespmem:s24+$0xFFFFFFF0];
	v5 =	vimm.s32 $0xFFFFFFFF;
	v8 =	vnsel vm7, $0xFFFFFFFF, v8  }
0x4a: {  	v10 =	vor.u32 s28, v0;
	vm8 =	veq.s32 v7, v4;
	vm7 =	vgt.s32 v5, v8  }
0x4b: {  	s29 =	simm.s32 $0x20;
	v7 =	vnsel vm8, $0xFFFFFFFF, v10;
	v5 =	vsel vm7, v5, v8;
	v8 =	vld [tilespmem:s24+$0x0]  }
0x4c: {  	v10 =	vor.u32 s29, v0;
	vm8 =	veq.s32 v6, v4;
	vm7 =	vgt.s32 v5, v7  }
0x4d: {  	s30 =	simm.s32 $0x30;
	v6 =	vnsel vm8, $0xFFFFFFFF, v10;
	v10 =	vld [tilespmem:s24+$0x10];
	v5 =	vsel vm7, v5, v7  }
0x4e: {  	vm8 =	veq.s32 v9, v4;
	v7 =	vor.u32 s30, v0;
	vm7 =	vgt.s32 v5, v6  }
0x4f: {  	s31 =	simm.s32 $0x40;
	v7 =	vnsel vm8, $0xFFFFFFFF, v7;
	v6 =	vsel vm7, v5, v6;
	v5 =	vld [tilespmem:s24+$0x20]  }
0x50: {  	v9 =	vor.u32 s31, v0;
	vm7 =	vgt.s32 v6, v7;
	vm8 =	veq.s32 v8, v4  }
0x51: {  	s25 =	simm.s32 $0x50;
	v7 =	vsel vm7, v6, v7;
	v8 =	vnsel vm8, $0xFFFFFFFF, v9;
	v6 =	vld [tilespmem:s24+$0x30]  }
0x52: {  	s23 =	simm.s32 $0x0;
	s22 =	simm.s32 $0x70;
	v9 =	vor.u32 s25, v0;
	vm8 =	veq.s32 v10, v4;
	s24 =	simm.s32 $0xC0;
	vm7 =	vgt.s32 v7, v8  }
.LBB2_3:
0x53: {  	v10 =	vld [tilespmem:s24+$0xFFFFFFC0];
	s23 =	sadd.s32 $0x8, s23;
	v7 =	vsel vm7, v7, v8;
	v8 =	vnsel vm8, $0xFFFFFFFF, v9;
	s25 =	sadd.s32 $0xFFFFFFF0, s22  }
0x54: {  	p0 =	slt.u32 s23, $0x268;
	vm7 =	vgt.s32 v7, v8;
	v9 =	vor.u32 s25, v0;
	vm8 =	veq.s32 v5, v4  }
0x55: {  	v5 =	vld [tilespmem:s24+$0xFFFFFFD0];
	v7 =	vsel vm7, v7, v8;
	v8 =	vnsel vm8, $0xFFFFFFFF, v9  }
0x56: {  	v9 =	vor.u32 s22, v0;
	s22 =	sadd.s32 $0x80, s22;
	vm7 =	vgt.s32 v7, v8;
	vm8 =	veq.s32 v6, v4  }
0x57: {  	s25 =	sadd.s32 $0xFFFFFF90, s22;
	v6 =	vld [tilespmem:s24+$0xFFFFFFE0];
	v7 =	vsel vm7, v7, v8;
	v8 =	vnsel vm8, $0xFFFFFFFF, v9  }
0x58: {  	v9 =	vor.u32 s25, v0;
	vm7 =	veq.s32 v10, v4;
	vm8 =	vgt.s32 v7, v8  }
0x59: {  	s25 =	sadd.s32 $0xFFFFFFA0, s22;
	v9 =	vnsel vm7, $0xFFFFFFFF, v9;
	v10 =	vld [tilespmem:s24+$0xFFFFFFF0];
	v7 =	vsel vm8, v7, v8  }
0x5a: {  	v8 =	vor.u32 s25, v0;
	vm7 =	vgt.s32 v7, v9;
	vm8 =	veq.s32 v5, v4  }
0x5b: {  	s25 =	sadd.s32 $0xFFFFFFB0, s22;
	v5 =	vsel vm7, v7, v9;
	v7 =	vnsel vm8, $0xFFFFFFFF, v8;
	v8 =	vld [tilespmem:s24+$0x0]  }
0x5c: {  	v9 =	vor.u32 s25, v0;
	vm7 =	vgt.s32 v5, v7;
	vm8 =	veq.s32 v6, v4  }
0x5d: {  	s25 =	sadd.s32 $0xFFFFFFC0, s22;
	v5 =	vsel vm7, v5, v7;
	v6 =	vnsel vm8, $0xFFFFFFFF, v9;
	v11 =	vld [tilespmem:s24+$0x10]  }
.Ltmp1:
0x5e: {  	v7 =	vor.u32 s25, v0;
	vm7 =	vgt.s32 v5, v6;
	vm8 =	veq.s32 v10, v4;
	(pc) =	sbr.rel @p0 .LBB2_3-.Ltmp1, $4  }
0x5f: {  	s25 =	sadd.s32 $0xFFFFFFD0, s22;
	v6 =	vsel vm7, v5, v6;
	v7 =	vnsel vm8, $0xFFFFFFFF, v7;
	v5 =	vld [tilespmem:s24+$0x20]  }
0x60: {  	v9 =	vor.u32 s25, v0;
	vm7 =	vgt.s32 v6, v7;
	vm8 =	veq.s32 v8, v4  }
0x61: {  	s25 =	sadd.s32 $0xFFFFFFE0, s22;
	v7 =	vsel vm7, v6, v7;
	v8 =	vnsel vm8, $0xFFFFFFFF, v9;
	v6 =	vld [tilespmem:s24+$0x30]  }
0x62: {  	v9 =	vor.u32 s25, v0;
	s24 =	sadd.s32 $0x80, s24;
	vm7 =	vgt.s32 v7, v8;
	vm8 =	veq.s32 v11, v4  }
0x63: {  	v7 =	vsel vm7, v7, v8;
	v8 =	vnsel vm8, $0xFFFFFFFF, v9;
	s23 =	sadd.s32 $0xFFFFFFF0, s22;
	v9 =	vld [tilespmem:$0x2700]  }
0x64: {  	vm7 =	vgt.s32 v7, v8;
	v10 =	vor.u32 s23, v0;
	vm8 =	veq.s32 v5, v4  }
0x65: {  	v5 =	vsel vm7, v7, v8;
	v7 =	vnsel vm8, $0xFFFFFFFF, v10  }
0x66: {  	v8 =	vor.u32 s22, v0;
	vm7 =	vgt.s32 v5, v7;
	vm8 =	veq.s32 v6, v4  }
0x67: {  	v5 =	vsel vm7, v5, v7;
	v6 =	vnsel vm8, $0xFFFFFFFF, v8  }
0x68: {  	vm7 =	vgt.s32 v5, v6;
	vm8 =	veq.s32 v9, v4  }
0x69: {  	v5 =	vsel vm7, v5, v6;
	v6 =	vnsel vm8, $0xFFFFFFFF, v1  }
0x6a: {  	vm7 =	vgt.s32 v5, v6  }
0x6b: {  	v5 =	vsel vm7, v5, v6  }
0x6c: {  	[tilespmem:$0x2900] =	vst v5  }
0x6d: {  	[tilespmem:$0x2910] =	vst v5  }
0x6e: {  	v6 =	vld [tilespmem:$0x2908];
	_ =	sdelay $0x4  }
0x6f: {  	vm7 =	vgt.s32 v5, v6  }
0x70: {  	v5 =	vsel vm7, v5, v6  }
0x71: {  	[tilespmem:$0x2900] =	vst v5  }
0x72: {  	[tilespmem:$0x2910] =	vst v5  }
0x73: {  	v6 =	vld [tilespmem:$0x2904];
	_ =	sdelay $0x4  }
0x74: {  	vm7 =	vgt.s32 v5, v6  }
0x75: {  	v5 =	vsel vm7, v5, v6  }
0x76: {  	[tilespmem:$0x2900] =	vst v5  }
0x77: {  	[tilespmem:$0x2910] =	vst v5  }
0x78: {  	v6 =	vld [tilespmem:$0x2902];
	_ =	sdelay $0x4  }
0x79: {  	vm7 =	vgt.s32 v5, v6  }
0x7a: {  	v5 =	vsel vm7, v5, v6  }
0x7b: {  	[tilespmem:$0x2900] =	vst v5  }
0x7c: {  	[tilespmem:$0x2910] =	vst v5  }
0x7d: {  	v6 =	vld [tilespmem:$0x2901]  }
0x7e: {  	s24 =	simm.s32 $0x40  }
0x7f: {  	v7 =	vld [tilespmem:s24+$0xFFFFFFC0];
	_ =	sdelay $0x1  }
0x80: {  	v8 =	vld [tilespmem:s24+$0xFFFFFFD0]  }
0x81: {  	vm7 =	vgt.s32 v5, v6  }
0x82: {  	s26 =	simm.s32 $0x0;
	v5 =	vsel vm7, v5, v6;
	v6 =	vld [tilespmem:s24+$0xFFFFFFE0]  }
0x83: {  	v9 =	vor.u32 s26, v0;
	vm7 =	veq.s32 v7, v5  }
0x84: {  	s28 =	simm.s32 $0x10;
	v10 =	vld [tilespmem:s24+$0xFFFFFFF0];
	v7 =	vimm.s32 $0xFFFFFFFF;
	v9 =	vnsel vm7, $0xFFFFFFFF, v9  }
0x85: {  	v11 =	vor.u32 s28, v0;
	vm8 =	veq.s32 v8, v5;
	vm7 =	vgt.s32 v7, v9  }
0x86: {  	s29 =	simm.s32 $0x20;
	v8 =	vnsel vm8, $0xFFFFFFFF, v11;
	v7 =	vsel vm7, v7, v9;
	v9 =	vld [tilespmem:s24+$0x0]  }
0x87: {  	v11 =	vor.u32 s29, v0;
	vm7 =	vgt.s32 v7, v8;
	vm8 =	veq.s32 v6, v5  }
0x88: {  	s30 =	simm.s32 $0x30;
	v6 =	vsel vm7, v7, v8;
	v7 =	vnsel vm8, $0xFFFFFFFF, v11;
	v11 =	vld [tilespmem:s24+$0x10]  }
0x89: {  	v8 =	vor.u32 s30, v0;
	vm8 =	veq.s32 v10, v5;
	vm7 =	vgt.s32 v6, v7  }
0x8a: {  	s31 =	simm.s32 $0x40;
	v8 =	vnsel vm8, $0xFFFFFFFF, v8;
	v7 =	vsel vm7, v6, v7;
	v6 =	vld [tilespmem:s24+$0x20]  }
0x8b: {  	v10 =	vor.u32 s31, v0;
	vm7 =	vgt.s32 v7, v8;
	vm8 =	veq.s32 v9, v5  }
0x8c: {  	s25 =	simm.s32 $0x50;
	v8 =	vsel vm7, v7, v8;
	v9 =	vnsel vm8, $0xFFFFFFFF, v10;
	v7 =	vld [tilespmem:s24+$0x30]  }
0x8d: {  	s23 =	simm.s32 $0x0;
	s22 =	simm.s32 $0x70;
	v10 =	vor.u32 s25, v0;
	s24 =	simm.s32 $0xC0;
	vm7 =	vgt.s32 v8, v9;
	vm8 =	veq.s32 v11, v5  }
.LBB2_5:
0x8e: {  	v11 =	vld [tilespmem:s24+$0xFFFFFFC0];
	s23 =	sadd.s32 $0x8, s23;
	v8 =	vsel vm7, v8, v9;
	v9 =	vnsel vm8, $0xFFFFFFFF, v10;
	s25 =	sadd.s32 $0xFFFFFFF0, s22  }
0x8f: {  	p0 =	slt.u32 s23, $0x268;
	vm7 =	vgt.s32 v8, v9;
	v10 =	vor.u32 s25, v0;
	vm8 =	veq.s32 v6, v5  }
0x90: {  	v6 =	vld [tilespmem:s24+$0xFFFFFFD0];
	v8 =	vsel vm7, v8, v9;
	v9 =	vnsel vm8, $0xFFFFFFFF, v10  }
0x91: {  	v10 =	vor.u32 s22, v0;
	s22 =	sadd.s32 $0x80, s22;
	vm7 =	vgt.s32 v8, v9;
	vm8 =	veq.s32 v7, v5  }
0x92: {  	s25 =	sadd.s32 $0xFFFFFF90, s22;
	v7 =	vld [tilespmem:s24+$0xFFFFFFE0];
	v8 =	vsel vm7, v8, v9;
	v9 =	vnsel vm8, $0xFFFFFFFF, v10  }
0x93: {  	v10 =	vor.u32 s25, v0;
	vm7 =	veq.s32 v11, v5;
	vm8 =	vgt.s32 v8, v9  }
0x94: {  	s25 =	sadd.s32 $0xFFFFFFA0, s22;
	v10 =	vnsel vm7, $0xFFFFFFFF, v10;
	v11 =	vld [tilespmem:s24+$0xFFFFFFF0];
	v8 =	vsel vm8, v8, v9  }
0x95: {  	v9 =	vor.u32 s25, v0;
	vm7 =	vgt.s32 v8, v10;
	vm8 =	veq.s32 v6, v5  }
0x96: {  	s25 =	sadd.s32 $0xFFFFFFB0, s22;
	v6 =	vsel vm7, v8, v10;
	v8 =	vnsel vm8, $0xFFFFFFFF, v9;
	v9 =	vld [tilespmem:s24+$0x0]  }
0x97: {  	v10 =	vor.u32 s25, v0;
	vm7 =	vgt.s32 v6, v8;
	vm8 =	veq.s32 v7, v5  }
0x98: {  	s25 =	sadd.s32 $0xFFFFFFC0, s22;
	v6 =	vsel vm7, v6, v8;
	v7 =	vnsel vm8, $0xFFFFFFFF, v10;
	v12 =	vld [tilespmem:s24+$0x10]  }
.Ltmp2:
0x99: {  	v8 =	vor.u32 s25, v0;
	vm7 =	vgt.s32 v6, v7;
	vm8 =	veq.s32 v11, v5;
	(pc) =	sbr.rel @p0 .LBB2_5-.Ltmp2, $4  }
0x9a: {  	s25 =	sadd.s32 $0xFFFFFFD0, s22;
	v7 =	vsel vm7, v6, v7;
	v8 =	vnsel vm8, $0xFFFFFFFF, v8;
	v6 =	vld [tilespmem:s24+$0x20]  }
0x9b: {  	v10 =	vor.u32 s25, v0;
	vm7 =	vgt.s32 v7, v8;
	vm8 =	veq.s32 v9, v5  }
0x9c: {  	s25 =	sadd.s32 $0xFFFFFFE0, s22;
	v8 =	vsel vm7, v7, v8;
	v9 =	vnsel vm8, $0xFFFFFFFF, v10;
	v7 =	vld [tilespmem:s24+$0x30]  }
0x9d: {  	v10 =	vor.u32 s25, v0;
	s24 =	sadd.s32 $0x80, s24;
	vm7 =	vgt.s32 v8, v9;
	vm8 =	veq.s32 v12, v5  }
0x9e: {  	v8 =	vsel vm7, v8, v9;
	v52 =	vnsel vm8, $0xFFFFFFFF, v10;
	s23 =	sadd.s32 $0xFFFFFFF0, s22;
	v53 =	vld [tilespmem:$0x2700]  }
0x9f: {  	vm7 =	vgt.s32 v8, v52;
	vm8 =	veq.s32 v6, v5;
	v54 =	vor.u32 s23, v0  }
0xa0: {  	v8 =	vsel vm7, v8, v52;
	v6 =	vnsel vm8, $0xFFFFFFFF, v54  }
0xa1: {  	v55 =	vor.u32 s22, v0;
	vm7 =	vgt.s32 v8, v6;
	vm8 =	veq.s32 v7, v5  }
0xa2: {  	v6 =	vsel vm7, v8, v6;
	v7 =	vnsel vm8, $0xFFFFFFFF, v55  }
0xa3: {  	vm7 =	vgt.s32 v6, v7;
	vm8 =	veq.s32 v53, v5  }
0xa4: {  	v6 =	vsel vm7, v6, v7;
	v56 =	vnsel vm8, $0xFFFFFFFF, v1  }
0xa5: {  	vm7 =	vgt.s32 v6, v56  }
0xa6: {  	v6 =	vsel vm7, v6, v56  }
0xa7: {  	[tilespmem:$0x2900] =	vst v6  }
0xa8: {  	[tilespmem:$0x2910] =	vst v6  }
0xa9: {  	v57 =	vld [tilespmem:$0x2908];
	_ =	sdelay $0x4  }
0xaa: {  	vm7 =	vgt.s32 v6, v57  }
0xab: {  	v6 =	vsel vm7, v6, v57  }
0xac: {  	[tilespmem:$0x2900] =	vst v6  }
0xad: {  	[tilespmem:$0x2910] =	vst v6  }
0xae: {  	v58 =	vld [tilespmem:$0x2904];
	_ =	sdelay $0x4  }
0xaf: {  	vm7 =	vgt.s32 v6, v58  }
0xb0: {  	v6 =	vsel vm7, v6, v58  }
0xb1: {  	[tilespmem:$0x2900] =	vst v6  }
0xb2: {  	[tilespmem:$0x2910] =	vst v6  }
0xb3: {  	v59 =	vld [tilespmem:$0x2902];
	_ =	sdelay $0x4  }
0xb4: {  	vm7 =	vgt.s32 v6, v59  }
0xb5: {  	v6 =	vsel vm7, v6, v59  }
0xb6: {  	[tilespmem:$0x2900] =	vst v6  }
0xb7: {  	[tilespmem:$0x2910] =	vst v6  }
0xb8: {  	v60 =	vld [tilespmem:$0x2901];
	_ =	sdelay $0x4  }
0xb9: {  	vm7 =	vgt.s32 v6, v60  }
0xba: {  	v6 =	vsel vm7, v6, v60;
	vm7 =	vgt.s32 v5, $0x0  }
0xbb: {  	v3 =	vsel vm4, v4, v3;
	v61 =	vnsel vm7, $0x0, v5;
	vm7 =	vgt.s32 v6, $0x0  }
0xbc: {  	v3 =	vsel vm5, v3, v61;
	v62 =	vnsel vm7, $0x0, v6  }
0xbd: {  	v3 =	vsel vm6, v3, v62  }
0xbe: {  	[tilespmem:$0x2880] =	vst v3  }
0xbf: {  	[tilespmem:s16], [sflag:$0x3] =	stream.indirect.gather [hbm4b:s4+s14], $0x80, s15, s14, $0xb8;
	[tilespmem:$0x3180] =	vst v63  }
0xc0: {  	_ =	swait.ge [sflag:s17], $0x800  }
0xc1: {  	vm7 =	vgt.s32 v5, $0xFFFFFFFF;
	[sflag:s17] =	ssyncset.done $0x0  }
0xc2: {  	v3 =	vsel vm7, $0x3F800000, v2;
	vm7 =	vgt.s32 v6, $0xFFFFFFFF;
	[sflag:s17] =	ssyncadd.s32 $0xFFFFF800  }
0xc3: {  	v63 =	vsel vm7, $0x3F800000, v2;
	[tilespmem:$0x2B80] =	vst v3  }
0xc4: {  	[tilespmem:$0x2C00] =	vst v63  }
0xc5: {  	[tilespmem:$0x2B90] =	vst v3  }
0xc6: {  	[tilespmem:$0x2C10] =	vst v63  }
0xc7: {  	[tilespmem:$0x2BA0] =	vst v3  }
0xc8: {  	[tilespmem:$0x2C20] =	vst v63  }
0xc9: {  	[tilespmem:$0x2BB0] =	vst v3  }
0xca: {  	[tilespmem:$0x2C30] =	vst v63  }
0xcb: {  	[tilespmem:$0x2BC0] =	vst v3  }
0xcc: {  	[tilespmem:$0x2C40] =	vst v63  }
0xcd: {  	[tilespmem:$0x2BD0] =	vst v3  }
0xce: {  	[tilespmem:$0x2C50] =	vst v63  }
0xcf: {  	[tilespmem:$0x2BE0] =	vst v3  }
0xd0: {  	s21 =	sadd.s32 $0x1, s21;
	[tilespmem:$0x2C60] =	vst v63  }
0xd1: {  	p0 =	sne.s32 s21, s9;
	[tilespmem:$0x2BF0] =	vst v3  }
.Ltmp3:
0xd2: {  	[tilespmem:$0x2C70] =	vst v63;
	(pc) =	sbr.rel @p0 .LBB2_2-.Ltmp3, $4  }
0xd3: {  	[hbm4b:s7+s18] =	stream.strided.scatter [tilespmem:s16], [sflag:$0x4], $0x300, s19, s18, $0x38;
	[tilespmem:$0x3180] =	vst v63  }
0xd4: {  	_ =	swait.ge [sflag:s20], $0x300  }
0xd5: {  	[sflag:s20] =	ssyncset.done $0x0  }
0xd6: {  	[sflag:s20] =	ssyncadd.s32 $0xFFFFFD00  }
.LBB2_7:
0xd7: {  	_ =	sfence.sel $0x180000  }
0xd8: {  	[bflag:$0x0] =	sbarrier.arrive $0xFFFF  }
0xd9: {  	p0 =	sne.s32 s3, $0x0;
	_ =	strace $0x90000047  }
0xda: {  	s0 =	sadd.s32 @!p0 $0x100000, s0;
	[bflag:$0x2] =	sbarrier.arrive $0xFFFF  }
0xdb: {  	[sflag:s0] =	ssyncadd.tile.s32 @!p0 $0x1;
	_ =	shalt  }
.Lfunc_end2:
_tile_overlayer_lowered:
.L_overlay_start_2:
0xdc: {  	(tag) =	ssettag $0x2  }
0xdd: {  	s0 =	rddreg [dreg:$0x0];
	s2 =	stileid.u32  }
0xde: {  	s1 =	rddreg [dreg:$0x1];
	p0 =	sne.s32 s2, $0x0  }
0xdf: {  	s3 =	rddreg [dreg:$0x2];
	[bflag:$0x3] =	sbarrier.arrive $0xFFFF;
	s2 =	simm.s32 @!p0 $0x1C04  }
0xe0: {  	[timem:s3], [sflag:s2] =	dma.local @!p0 [hbm:s0], s1  }
0xe1: {  	s0 =	simm.s32 @!p0 $0x4  }
0xe2: {  	_ =	swait.ge @!p0 [sflag:s0], s1  }
0xe3: {  	s1 =	ssub.s32 @!p0 $0x0, s1;
	[sflag:s0] =	ssyncset.done @!p0 $0x0  }
0xe4: {  	[sflag:s0] =	ssyncadd.s32 @!p0 s1  }
0xe5: {  	[bflag:$0x3] =	sbarrier.arrive $0xFFFF  }
0xe6: {  	_ =	shalt  }

</sc_bundles>
